<compile_context>
chip_gen: v7x
topology: tpu7x:2x2x1
jax: 0.10.2.dev20260603
libtpu: 0.0.44.dev20260713+nightly
codegen_flags: <defaults>
</compile_context>

<pallas_src>
import functools

import jax
import jax.numpy as jnp
from jax import lax
from jax.experimental import pallas as pl
from jax.experimental.pallas import tpu as pltpu
from jax.experimental.pallas import tpu_sc as plsc

D_MODEL = 64
SCALE = 8.0
VOCAB = 1000000

NC, NS = 2, 16
NW = NC * NS
ROWS, COLS = 4096, 200
CHUNK = 128
SG = 2
NB = 2
NITER = COLS // SG
PITCH = 137

_mesh = plsc.VectorSubcoreMesh(core_axis_name="c", subcore_axis_name="s")


@functools.partial(
    pl.kernel,
    out_type=jax.ShapeDtypeStruct((COLS, 8, NW, 8, CHUNK), jnp.float32),
    mesh=_mesh,
    scratch_types=[
        pltpu.VMEM((COLS, CHUNK), jnp.int32),
        pltpu.VMEM((NB, SG * CHUNK, D_MODEL), jnp.float32),
        pltpu.VMEM((NB, SG, 8, 8, PITCH), jnp.float32),
    ] + [pltpu.SemaphoreType.DMA] * (2 * NB),
    compiler_params=pltpu.CompilerParams(
        use_tc_tiling_on_sc=False, needs_layout_passes=False),
)
def _emb_lookup(x_hbm, lutp_hbm, out_hbm, idx_v, gbuf, obuf, *sems):
    gsem, wsem = sems[:NB], sems[NB:]
    wid = lax.axis_index("s") * NC + lax.axis_index("c")
    pltpu.sync_copy(x_hbm.at[wid], idx_v)

    lanes = lax.iota(jnp.int32, 16)
    drv = jnp.bitwise_and(lanes, 7)
    dtvs = [jnp.right_shift(c * 16 + lanes, 3) for c in range(4)]

    def start_gathers(J, b):
        for t in range(SG):
            pltpu.async_copy(
                lutp_hbm.at[idx_v.at[J * SG + t]],
                gbuf.at[b, pl.ds(t * CHUNK, CHUNK)], gsem[b])

    def wait_gathers(b):
        pltpu.make_async_copy(
            lutp_hbm.at[pl.ds(0, SG * CHUNK)], gbuf.at[b], gsem[b]).wait()

    for b in range(NB):
        start_gathers(b, b)

    @pl.loop(0, NITER, step=NB)
    def _grp(J0):
        for b in range(NB):
            J = J0 + b
            wait_gathers(b)

            @pl.when(J >= NB)
            def _wait_write():
                pltpu.make_async_copy(
                    obuf.at[b, :, :, :, pl.ds(0, CHUNK)],
                    out_hbm.at[pl.ds((J - NB) * SG, SG), :, wid],
                    wsem[b]).wait()

            for t in range(SG):
                @plsc.parallel_loop(0, CHUNK, unroll=8)
                def _k(k):
                    kv = jnp.full((16,), 0, jnp.int32) + k
                    for c in range(D_MODEL // 16):
                        v = gbuf[b, t * CHUNK + k, pl.ds(c * 16, 16)] * SCALE
                        plsc.store_scatter(
                            obuf.at[b, t], [dtvs[c], drv, kv], v)

            pltpu.async_copy(
                obuf.at[b, :, :, :, pl.ds(0, CHUNK)],
                out_hbm.at[pl.ds(J * SG, SG), :, wid], wsem[b])

            @pl.when(J + NB < NITER)
            def _next_gather():
                start_gathers(J + NB, b)

    for b in range(NB):
        pltpu.make_async_copy(
            obuf.at[b, :, :, :, pl.ds(0, CHUNK)],
            out_hbm.at[pl.ds((NITER - NB + b) * SG, SG), :, wid],
            wsem[b]).wait()


def kernel(x, lut):
    xw = jnp.transpose(x.reshape(NW, CHUNK, COLS), (0, 2, 1))
    out = _emb_lookup(xw, lut)
    final = jnp.transpose(out, (2, 4, 0, 1, 3)).reshape(ROWS, COLS, D_MODEL)
    return final

# --- scband reference (transcript-rebuilt; emitter-appended) ---
"""Pipeline reference for scband-embedding-78726750536500 (READ-ONLY COPY).

The authoritative reference and input builder live on the scoring server;
editing this copy changes nothing except your own understanding.
"""

import jax, jax.numpy as jnp
import numpy as np
import math

D_MODEL = 64
VOCAB = 1000000

def setup_inputs(seed: int = 0) -> dict:
    key = jax.random.key(seed)
    k1, k2 = jax.random.split(key)
    x = jax.random.randint(k1, (4096, 200), 0, VOCAB, dtype=jnp.int64 if jax.config.read('jax_enable_x64') else jnp.int32)
    lut = jax.random.normal(k2, (VOCAB, D_MODEL), dtype=jnp.float32)
    return {"x": x, "lut": lut}

def reference(x, lut):
    # Faithful translation of: self.lut(x) * math.sqrt(self.d_model)
    emb = jnp.take(lut, x, axis=0)
    return emb * math.sqrt(D_MODEL)

if __name__ == "__main__":
    import jax
    _d = setup_inputs()
    print(jax.jit(kernel)(*tuple(_d.values())))

</pallas_src>

<mosaic_0001>
#map = affine_map<(d0, d1) -> (0, 0, 0)>
#map1 = affine_map<(d0, d1) -> (0, 0)>
#map2 = affine_map<(d0, d1) -> (0, 0, 0, 0, 0)>
module attributes {stable_mosaic.version = 14 : i64} {
  func.func @_emb_lookup(%arg0: i32, %arg1: i32, %arg2: memref<32x200x128xi32, #tpu.memory_space<hbm>>, %arg3: memref<1000000x64xf32, #tpu.memory_space<hbm>>, %arg4: memref<200x8x32x8x128xf32, #tpu.memory_space<hbm>>, %arg5: memref<200x128xi32, #tpu.memory_space<vmem>>, %arg6: memref<2x256x64xf32, #tpu.memory_space<vmem>>, %arg7: memref<2x2x8x8x137xf32, #tpu.memory_space<vmem>>, %arg8: memref<!tpu.dma_semaphore, #tpu.memory_space<semaphore_mem>>, %arg9: memref<!tpu.dma_semaphore, #tpu.memory_space<semaphore_mem>>, %arg10: memref<!tpu.dma_semaphore, #tpu.memory_space<semaphore_mem>>, %arg11: memref<!tpu.dma_semaphore, #tpu.memory_space<semaphore_mem>>) attributes {dimension_semantics = [#tpu.dimension_semantics<core_parallel>, #tpu.dimension_semantics<subcore_parallel>], iteration_bounds = array<i64: 2, 16>, scalar_prefetch = 0 : i64, scratch_operands = 7 : i64, tpu.core_type = #tpu.core_type<sc_vector_subcore>, window_params = [{transform_indices = #map}, {transform_indices = #map1}, {transform_indices = #map2}]} {
    %mul3A = arith.constant 2 : i32
    %mul3A_0 = arith.muli %arg1, %mul3A : i32
    %add3A = arith.addi %mul3A_0, %arg0 : i32
    "tpu.region"() ({
      %run_scoped3A = tpu.sem_alloc : memref<!tpu.dma_semaphore, #tpu.memory_space<semaphore_mem>>
      %dma_start3A_126 = arith.constant 0 : i32
      %dma_start3A_127 = arith.constant 0 : i32
      %dma_start3A_128 = tpu.memref_slice %arg2[%add3A, %dma_start3A_126, %dma_start3A_127] : memref<32x200x128xi32, #tpu.memory_space<hbm>> -> memref<1x200x128xi32, #tpu.memory_space<hbm>>
      %dma_start3A_129 = tpu.memref_squeeze %dma_start3A_128 : memref<1x200x128xi32, #tpu.memory_space<hbm>> -> memref<200x128xi32, #tpu.memory_space<hbm>>
      %dma_start3A_130 = arith.constant 0 : i32
      %dma_start3A_131 = arith.constant 0 : i32
      %dma_start3A_132 = tpu.memref_slice %arg2[%add3A, %dma_start3A_130, %dma_start3A_131] : memref<32x200x128xi32, #tpu.memory_space<hbm>> -> memref<1x200x128xi32, #tpu.memory_space<hbm>>
      %dma_start3A_133 = tpu.memref_squeeze %dma_start3A_132 : memref<1x200x128xi32, #tpu.memory_space<hbm>> -> memref<200x128xi32, #tpu.memory_space<hbm>>
      tpu.enqueue_dma source(%dma_start3A_133 : memref<200x128xi32, #tpu.memory_space<hbm>>) target(%arg5 : memref<200x128xi32, #tpu.memory_space<vmem>>) target_semaphore(%run_scoped3A : memref<!tpu.dma_semaphore, #tpu.memory_space<semaphore_mem>>)
      %dma_wait3A_134 = arith.constant 0 : i32
      %dma_wait3A_135 = arith.constant 0 : i32
      %dma_wait3A_136 = tpu.memref_slice %arg2[%add3A, %dma_wait3A_134, %dma_wait3A_135] : memref<32x200x128xi32, #tpu.memory_space<hbm>> -> memref<1x200x128xi32, #tpu.memory_space<hbm>>
      %dma_wait3A_137 = tpu.memref_squeeze %dma_wait3A_136 : memref<1x200x128xi32, #tpu.memory_space<hbm>> -> memref<200x128xi32, #tpu.memory_space<hbm>>
      %dma_wait3A_138 = arith.constant 0 : i32
      %dma_wait3A_139 = arith.constant 0 : i32
      %dma_wait3A_140 = tpu.memref_slice %arg2[%add3A, %dma_wait3A_138, %dma_wait3A_139] : memref<32x200x128xi32, #tpu.memory_space<hbm>> -> memref<1x200x128xi32, #tpu.memory_space<hbm>>
      %dma_wait3A_141 = tpu.memref_squeeze %dma_wait3A_140 : memref<1x200x128xi32, #tpu.memory_space<hbm>> -> memref<200x128xi32, #tpu.memory_space<hbm>>
      tpu.wait_dma2 semaphore(%run_scoped3A : memref<!tpu.dma_semaphore, #tpu.memory_space<semaphore_mem>>) src(%dma_wait3A_141 : memref<200x128xi32, #tpu.memory_space<hbm>>) dst(%arg5 : memref<200x128xi32, #tpu.memory_space<vmem>>)
      tpu.yield
    }) : () -> ()
    %iota3A = tpu.iota {dimensions = array<i32: 0>} : vector<16xi32>
    %and3A = arith.constant 7 : i32
    %and3A_1 = vector.broadcast %and3A : i32 to vector<16xi32>
    %and3A_2 = arith.andi %iota3A, %and3A_1 : vector<16xi32>
    %add3A_3 = arith.constant 0 : i32
    %add3A_4 = vector.broadcast %add3A_3 : i32 to vector<16xi32>
    %add3A_5 = arith.addi %add3A_4, %iota3A : vector<16xi32>
    %shift_right_arithmetic3A = arith.constant 3 : i32
    %shift_right_arithmetic3A_6 = vector.broadcast %shift_right_arithmetic3A : i32 to vector<16xi32>
    %shift_right_arithmetic3A_7 = arith.shrsi %add3A_5, %shift_right_arithmetic3A_6 : vector<16xi32>
    %add3A_8 = arith.constant 16 : i32
    %add3A_9 = vector.broadcast %add3A_8 : i32 to vector<16xi32>
    %add3A_10 = arith.addi %add3A_9, %iota3A : vector<16xi32>
    %shift_right_arithmetic3A_11 = arith.constant 3 : i32
    %shift_right_arithmetic3A_12 = vector.broadcast %shift_right_arithmetic3A_11 : i32 to vector<16xi32>
    %shift_right_arithmetic3A_13 = arith.shrsi %add3A_10, %shift_right_arithmetic3A_12 : vector<16xi32>
    %add3A_14 = arith.constant 32 : i32
    %add3A_15 = vector.broadcast %add3A_14 : i32 to vector<16xi32>
    %add3A_16 = arith.addi %add3A_15, %iota3A : vector<16xi32>
    %shift_right_arithmetic3A_17 = arith.constant 3 : i32
    %shift_right_arithmetic3A_18 = vector.broadcast %shift_right_arithmetic3A_17 : i32 to vector<16xi32>
    %shift_right_arithmetic3A_19 = arith.shrsi %add3A_16, %shift_right_arithmetic3A_18 : vector<16xi32>
    %add3A_20 = arith.constant 48 : i32
    %add3A_21 = vector.broadcast %add3A_20 : i32 to vector<16xi32>
    %add3A_22 = arith.addi %add3A_21, %iota3A : vector<16xi32>
    %shift_right_arithmetic3A_23 = arith.constant 3 : i32
    %shift_right_arithmetic3A_24 = vector.broadcast %shift_right_arithmetic3A_23 : i32 to vector<16xi32>
    %shift_right_arithmetic3A_25 = arith.shrsi %add3A_22, %shift_right_arithmetic3A_24 : vector<16xi32>
    %dma_start3A = arith.constant 0 : i32
    %dma_start3A_26 = arith.constant 0 : i32
    %dma_start3A_27 = arith.constant 0 : i32
    %dma_start3A_28 = arith.constant 0 : i32
    %dma_start3A_29 = tpu.memref_slice %arg6[%dma_start3A_26, %dma_start3A_27, %dma_start3A_28] : memref<2x256x64xf32, #tpu.memory_space<vmem>> -> memref<1x128x64xf32, #tpu.memory_space<vmem>>
    %dma_start3A_30 = tpu.memref_squeeze %dma_start3A_29 : memref<1x128x64xf32, #tpu.memory_space<vmem>> -> memref<128x64xf32, #tpu.memory_space<vmem>>
    %dma_start3A_31 = arith.constant 0 : i32
    %dma_start3A_32 = tpu.memref_slice %arg5[%dma_start3A, %dma_start3A_31] : memref<200x128xi32, #tpu.memory_space<vmem>> -> memref<1x128xi32, #tpu.memory_space<vmem>>
    %dma_start3A_33 = tpu.memref_squeeze %dma_start3A_32 : memref<1x128xi32, #tpu.memory_space<vmem>> -> memref<128xi32, #tpu.memory_space<vmem>>
    %dma_start3A_34 = arith.constant 0 : i32
    %dma_start3A_35 = arith.constant 0 : i32
    %dma_start3A_36 = tpu.memref_slice %arg3[%dma_start3A_34, %dma_start3A_35] : memref<1000000x64xf32, #tpu.memory_space<hbm>> -> memref<1000000x64xf32, #tpu.memory_space<hbm>>
    tpu.enqueue_indirect_dma source(%dma_start3A_36 : memref<1000000x64xf32, #tpu.memory_space<hbm>>) target(%dma_start3A_30 : memref<128x64xf32, #tpu.memory_space<vmem>>) offsets(%dma_start3A_33 : memref<128xi32, #tpu.memory_space<vmem>>) semaphore(%arg8 : memref<!tpu.dma_semaphore, #tpu.memory_space<semaphore_mem>>)
    %dma_start3A_37 = arith.constant 1 : i32
    %dma_start3A_38 = arith.constant 0 : i32
    %dma_start3A_39 = arith.constant 128 : i32
    %dma_start3A_40 = arith.constant 0 : i32
    %dma_start3A_41 = tpu.memref_slice %arg6[%dma_start3A_38, %dma_start3A_39, %dma_start3A_40] : memref<2x256x64xf32, #tpu.memory_space<vmem>> -> memref<1x128x64xf32, #tpu.memory_space<vmem>>
    %dma_start3A_42 = tpu.memref_squeeze %dma_start3A_41 : memref<1x128x64xf32, #tpu.memory_space<vmem>> -> memref<128x64xf32, #tpu.memory_space<vmem>>
    %dma_start3A_43 = arith.constant 0 : i32
    %dma_start3A_44 = tpu.memref_slice %arg5[%dma_start3A_37, %dma_start3A_43] : memref<200x128xi32, #tpu.memory_space<vmem>> -> memref<1x128xi32, #tpu.memory_space<vmem>>
    %dma_start3A_45 = tpu.memref_squeeze %dma_start3A_44 : memref<1x128xi32, #tpu.memory_space<vmem>> -> memref<128xi32, #tpu.memory_space<vmem>>
    %dma_start3A_46 = arith.constant 0 : i32
    %dma_start3A_47 = arith.constant 0 : i32
    %dma_start3A_48 = tpu.memref_slice %arg3[%dma_start3A_46, %dma_start3A_47] : memref<1000000x64xf32, #tpu.memory_space<hbm>> -> memref<1000000x64xf32, #tpu.memory_space<hbm>>
    tpu.enqueue_indirect_dma source(%dma_start3A_48 : memref<1000000x64xf32, #tpu.memory_space<hbm>>) target(%dma_start3A_42 : memref<128x64xf32, #tpu.memory_space<vmem>>) offsets(%dma_start3A_45 : memref<128xi32, #tpu.memory_space<vmem>>) semaphore(%arg8 : memref<!tpu.dma_semaphore, #tpu.memory_space<semaphore_mem>>)
    %dma_start3A_49 = arith.constant 2 : i32
    %dma_start3A_50 = arith.constant 1 : i32
    %dma_start3A_51 = arith.constant 0 : i32
    %dma_start3A_52 = arith.constant 0 : i32
    %dma_start3A_53 = tpu.memref_slice %arg6[%dma_start3A_50, %dma_start3A_51, %dma_start3A_52] : memref<2x256x64xf32, #tpu.memory_space<vmem>> -> memref<1x128x64xf32, #tpu.memory_space<vmem>>
    %dma_start3A_54 = tpu.memref_squeeze %dma_start3A_53 : memref<1x128x64xf32, #tpu.memory_space<vmem>> -> memref<128x64xf32, #tpu.memory_space<vmem>>
    %dma_start3A_55 = arith.constant 0 : i32
    %dma_start3A_56 = tpu.memref_slice %arg5[%dma_start3A_49, %dma_start3A_55] : memref<200x128xi32, #tpu.memory_space<vmem>> -> memref<1x128xi32, #tpu.memory_space<vmem>>
    %dma_start3A_57 = tpu.memref_squeeze %dma_start3A_56 : memref<1x128xi32, #tpu.memory_space<vmem>> -> memref<128xi32, #tpu.memory_space<vmem>>
    %dma_start3A_58 = arith.constant 0 : i32
    %dma_start3A_59 = arith.constant 0 : i32
    %dma_start3A_60 = tpu.memref_slice %arg3[%dma_start3A_58, %dma_start3A_59] : memref<1000000x64xf32, #tpu.memory_space<hbm>> -> memref<1000000x64xf32, #tpu.memory_space<hbm>>
    tpu.enqueue_indirect_dma source(%dma_start3A_60 : memref<1000000x64xf32, #tpu.memory_space<hbm>>) target(%dma_start3A_54 : memref<128x64xf32, #tpu.memory_space<vmem>>) offsets(%dma_start3A_57 : memref<128xi32, #tpu.memory_space<vmem>>) semaphore(%arg9 : memref<!tpu.dma_semaphore, #tpu.memory_space<semaphore_mem>>)
    %dma_start3A_61 = arith.constant 3 : i32
    %dma_start3A_62 = arith.constant 1 : i32
    %dma_start3A_63 = arith.constant 128 : i32
    %dma_start3A_64 = arith.constant 0 : i32
    %dma_start3A_65 = tpu.memref_slice %arg6[%dma_start3A_62, %dma_start3A_63, %dma_start3A_64] : memref<2x256x64xf32, #tpu.memory_space<vmem>> -> memref<1x128x64xf32, #tpu.memory_space<vmem>>
    %dma_start3A_66 = tpu.memref_squeeze %dma_start3A_65 : memref<1x128x64xf32, #tpu.memory_space<vmem>> -> memref<128x64xf32, #tpu.memory_space<vmem>>
    %dma_start3A_67 = arith.constant 0 : i32
    %dma_start3A_68 = tpu.memref_slice %arg5[%dma_start3A_61, %dma_start3A_67] : memref<200x128xi32, #tpu.memory_space<vmem>> -> memref<1x128xi32, #tpu.memory_space<vmem>>
    %dma_start3A_69 = tpu.memref_squeeze %dma_start3A_68 : memref<1x128xi32, #tpu.memory_space<vmem>> -> memref<128xi32, #tpu.memory_space<vmem>>
    %dma_start3A_70 = arith.constant 0 : i32
    %dma_start3A_71 = arith.constant 0 : i32
    %dma_start3A_72 = tpu.memref_slice %arg3[%dma_start3A_70, %dma_start3A_71] : memref<1000000x64xf32, #tpu.memory_space<hbm>> -> memref<1000000x64xf32, #tpu.memory_space<hbm>>
    tpu.enqueue_indirect_dma source(%dma_start3A_72 : memref<1000000x64xf32, #tpu.memory_space<hbm>>) target(%dma_start3A_66 : memref<128x64xf32, #tpu.memory_space<vmem>>) offsets(%dma_start3A_69 : memref<128xi32, #tpu.memory_space<vmem>>) semaphore(%arg9 : memref<!tpu.dma_semaphore, #tpu.memory_space<semaphore_mem>>)
    %scan3A = arith.constant 0 : i32
    %scan3A_73 = arith.constant 50 : i32
    %scan3A_74 = arith.addi %scan3A, %scan3A_73 : i32
    %scan3A_75 = arith.constant 1 : i32
    scf.for %scan3A_126 = %scan3A to %scan3A_74 step %scan3A_75  : i32 {
      %mul3A_127 = arith.constant 2 : i32
      %mul3A_128 = arith.muli %scan3A_126, %mul3A_127 : i32
      %add3A_129 = arith.constant 0 : i32
      %add3A_130 = arith.addi %add3A_129, %mul3A_128 : i32
      %add3A_131 = arith.constant 0 : i32
      %add3A_132 = arith.addi %add3A_130, %add3A_131 : i32
      %dma_wait3A_133 = arith.constant 0 : i32
      %dma_wait3A_134 = arith.constant 0 : i32
      %dma_wait3A_135 = arith.constant 0 : i32
      %dma_wait3A_136 = tpu.memref_slice %arg6[%dma_wait3A_133, %dma_wait3A_134, %dma_wait3A_135] : memref<2x256x64xf32, #tpu.memory_space<vmem>> -> memref<1x256x64xf32, #tpu.memory_space<vmem>>
      %dma_wait3A_137 = tpu.memref_squeeze %dma_wait3A_136 : memref<1x256x64xf32, #tpu.memory_space<vmem>> -> memref<256x64xf32, #tpu.memory_space<vmem>>
      %dma_wait3A_138 = arith.constant 0 : i32
      %dma_wait3A_139 = arith.constant 0 : i32
      %dma_wait3A_140 = tpu.memref_slice %arg3[%dma_wait3A_138, %dma_wait3A_139] : memref<1000000x64xf32, #tpu.memory_space<hbm>> -> memref<256x64xf32, #tpu.memory_space<hbm>>
      %dma_wait3A_141 = arith.constant 0 : i32
      %dma_wait3A_142 = arith.constant 0 : i32
      %dma_wait3A_143 = tpu.memref_slice %arg6[%dma_wait3A_133, %dma_wait3A_141, %dma_wait3A_142] : memref<2x256x64xf32, #tpu.memory_space<vmem>> -> memref<1x256x64xf32, #tpu.memory_space<vmem>>
      %dma_wait3A_144 = tpu.memref_squeeze %dma_wait3A_143 : memref<1x256x64xf32, #tpu.memory_space<vmem>> -> memref<256x64xf32, #tpu.memory_space<vmem>>
      %dma_wait3A_145 = arith.constant 0 : i32
      %dma_wait3A_146 = arith.constant 0 : i32
      %dma_wait3A_147 = tpu.memref_slice %arg3[%dma_wait3A_145, %dma_wait3A_146] : memref<1000000x64xf32, #tpu.memory_space<hbm>> -> memref<256x64xf32, #tpu.memory_space<hbm>>
      tpu.wait_dma2 semaphore(%arg8 : memref<!tpu.dma_semaphore, #tpu.memory_space<semaphore_mem>>) src(%dma_wait3A_147 : memref<256x64xf32, #tpu.memory_space<hbm>>) dst(%dma_wait3A_144 : memref<256x64xf32, #tpu.memory_space<vmem>>)
      %ge3A = arith.constant 2 : i32
      %ge3A_148 = arith.cmpi sge, %add3A_132, %ge3A : i32
      %convert_element_type3A = arith.extui %ge3A_148 : i1 to i32
      %cond3A = arith.constant 0 : i32
      %cond3A_149 = arith.cmpi ne, %convert_element_type3A, %cond3A : i32
      scf.if %cond3A_149 {
        %sub3A = arith.constant 2 : i32
        %sub3A_246 = arith.subi %add3A_132, %sub3A : i32
        %mul3A_247 = arith.constant 2 : i32
        %mul3A_248 = arith.muli %sub3A_246, %mul3A_247 : i32
        %dma_wait3A_249 = arith.constant 0 : i32
        %dma_wait3A_250 = arith.constant 0 : i32
        %dma_wait3A_251 = arith.constant 0 : i32
        %dma_wait3A_252 = arith.constant 0 : i32
        %dma_wait3A_253 = arith.constant 0 : i32
        %dma_wait3A_254 = tpu.memref_slice %arg7[%dma_wait3A_249, %dma_wait3A_250, %dma_wait3A_251, %dma_wait3A_252, %dma_wait3A_253] : memref<2x2x8x8x137xf32, #tpu.memory_space<vmem>> -> memref<1x2x8x8x128xf32, #tpu.memory_space<vmem>>
        %dma_wait3A_255 = tpu.memref_squeeze %dma_wait3A_254 : memref<1x2x8x8x128xf32, #tpu.memory_space<vmem>> -> memref<2x8x8x128xf32, #tpu.memory_space<vmem>>
        %dma_wait3A_256 = arith.constant 0 : i32
        %dma_wait3A_257 = arith.constant 0 : i32
        %dma_wait3A_258 = arith.constant 0 : i32
        %dma_wait3A_259 = tpu.memref_slice %arg4[%mul3A_248, %dma_wait3A_256, %add3A, %dma_wait3A_257, %dma_wait3A_258] : memref<200x8x32x8x128xf32, #tpu.memory_space<hbm>> -> memref<2x8x1x8x128xf32, #tpu.memory_space<hbm>>
        %dma_wait3A_260 = tpu.memref_squeeze %dma_wait3A_259 : memref<2x8x1x8x128xf32, #tpu.memory_space<hbm>> -> memref<2x8x8x128xf32, #tpu.memory_space<hbm>>
        %dma_wait3A_261 = arith.constant 0 : i32
        %dma_wait3A_262 = arith.constant 0 : i32
        %dma_wait3A_263 = arith.constant 0 : i32
        %dma_wait3A_264 = tpu.memref_slice %arg4[%mul3A_248, %dma_wait3A_261, %add3A, %dma_wait3A_262, %dma_wait3A_263] : memref<200x8x32x8x128xf32, #tpu.memory_space<hbm>> -> memref<2x8x1x8x128xf32, #tpu.memory_space<hbm>>
        %dma_wait3A_265 = tpu.memref_squeeze %dma_wait3A_264 : memref<2x8x1x8x128xf32, #tpu.memory_space<hbm>> -> memref<2x8x8x128xf32, #tpu.memory_space<hbm>>
        %dma_wait3A_266 = arith.constant 0 : i32
        %dma_wait3A_267 = arith.constant 0 : i32
        %dma_wait3A_268 = arith.constant 0 : i32
        %dma_wait3A_269 = arith.constant 0 : i32
        %dma_wait3A_270 = tpu.memref_slice %arg7[%dma_wait3A_249, %dma_wait3A_266, %dma_wait3A_267, %dma_wait3A_268, %dma_wait3A_269] : memref<2x2x8x8x137xf32, #tpu.memory_space<vmem>> -> memref<1x2x8x8x128xf32, #tpu.memory_space<vmem>>
        %dma_wait3A_271 = tpu.memref_squeeze %dma_wait3A_270 : memref<1x2x8x8x128xf32, #tpu.memory_space<vmem>> -> memref<2x8x8x128xf32, #tpu.memory_space<vmem>>
        tpu.wait_dma2 semaphore(%arg10 : memref<!tpu.dma_semaphore, #tpu.memory_space<semaphore_mem>>) src(%dma_wait3A_271 : memref<2x8x8x128xf32, #tpu.memory_space<vmem>>) dst(%dma_wait3A_265 : memref<2x8x8x128xf32, #tpu.memory_space<hbm>>)
      } else {
      }
      %parallel_loop3A = arith.constant 0 : i32
      %parallel_loop3A_150 = arith.constant 128 : i32
      %parallel_loop3A_151 = arith.constant 1 : i32
      scf.for %parallel_loop3A_246 = %parallel_loop3A to %parallel_loop3A_150 step %parallel_loop3A_151  : i32 {
        %parallel_loop3A_247 = arith.constant 0 : i32
        %parallel_loop3A_248 = vector.broadcast %parallel_loop3A_247 : i32 to vector<16xi32>
        %parallel_loop3A_249 = vector.broadcast %parallel_loop3A_246 : i32 to vector<16xi32>
        %parallel_loop3A_250 = arith.addi %parallel_loop3A_248, %parallel_loop3A_249 : vector<16xi32>
        %parallel_loop3A_251 = arith.constant 0 : i32
        %parallel_loop3A_252 = arith.addi %parallel_loop3A_251, %parallel_loop3A_246 : i32
        %parallel_loop3A_253 = arith.constant 0 : i32
        %parallel_loop3A_254 = arith.index_cast %parallel_loop3A_253 : i32 to index
        %parallel_loop3A_255 = arith.index_cast %parallel_loop3A_252 : i32 to index
        %parallel_loop3A_256 = arith.constant 0 : index
        %parallel_loop3A_257 = tpu.vector_load %arg6[%parallel_loop3A_254, %parallel_loop3A_255, %parallel_loop3A_256] {strides = array<i32>} : memref<2x256x64xf32, #tpu.memory_space<vmem>>, vector<16xf32>,
        %parallel_loop3A_258 = arith.constant 8.000000e+00 : f32
        %parallel_loop3A_259 = vector.broadcast %parallel_loop3A_258 : f32 to vector<16xf32>
        %parallel_loop3A_260 = arith.mulf %parallel_loop3A_257, %parallel_loop3A_259 : vector<16xf32>
        %parallel_loop3A_261 = arith.constant 0 : i32
        %parallel_loop3A_262 = arith.constant 0 : i32
        %parallel_loop3A_263 = arith.constant 0 : i32
        %parallel_loop3A_264 = arith.constant 0 : i32
        %parallel_loop3A_265 = arith.constant 0 : i32
        %parallel_loop3A_266 = tpu.memref_slice %arg7[%parallel_loop3A_261, %parallel_loop3A_262, %parallel_loop3A_263, %parallel_loop3A_264, %parallel_loop3A_265] : memref<2x2x8x8x137xf32, #tpu.memory_space<vmem>> -> memref<1x1x8x8x137xf32, #tpu.memory_space<vmem>>
        %parallel_loop3A_267 = tpu.memref_squeeze %parallel_loop3A_266 : memref<1x1x8x8x137xf32, #tpu.memory_space<vmem>> -> memref<8x8x137xf32, #tpu.memory_space<vmem>>
        tpu.vector_store_idx %parallel_loop3A_267[%shift_right_arithmetic3A_7, %and3A_2, %parallel_loop3A_250], %parallel_loop3A_260 : memref<8x8x137xf32, #tpu.memory_space<vmem>>[vector<16xi32>, vector<16xi32>, vector<16xi32>], vector<16xf32>,
        %parallel_loop3A_268 = arith.constant 0 : i32
        %parallel_loop3A_269 = arith.addi %parallel_loop3A_268, %parallel_loop3A_246 : i32
        %parallel_loop3A_270 = arith.constant 0 : i32
        %parallel_loop3A_271 = arith.index_cast %parallel_loop3A_270 : i32 to index
        %parallel_loop3A_272 = arith.index_cast %parallel_loop3A_269 : i32 to index
        %parallel_loop3A_273 = arith.constant 16 : index
        %parallel_loop3A_274 = tpu.vector_load %arg6[%parallel_loop3A_271, %parallel_loop3A_272, %parallel_loop3A_273] {strides = array<i32>} : memref<2x256x64xf32, #tpu.memory_space<vmem>>, vector<16xf32>,
        %parallel_loop3A_275 = arith.constant 8.000000e+00 : f32
        %parallel_loop3A_276 = vector.broadcast %parallel_loop3A_275 : f32 to vector<16xf32>
        %parallel_loop3A_277 = arith.mulf %parallel_loop3A_274, %parallel_loop3A_276 : vector<16xf32>
        %parallel_loop3A_278 = arith.constant 0 : i32
        %parallel_loop3A_279 = arith.constant 0 : i32
        %parallel_loop3A_280 = arith.constant 0 : i32
        %parallel_loop3A_281 = arith.constant 0 : i32
        %parallel_loop3A_282 = arith.constant 0 : i32
        %parallel_loop3A_283 = tpu.memref_slice %arg7[%parallel_loop3A_278, %parallel_loop3A_279, %parallel_loop3A_280, %parallel_loop3A_281, %parallel_loop3A_282] : memref<2x2x8x8x137xf32, #tpu.memory_space<vmem>> -> memref<1x1x8x8x137xf32, #tpu.memory_space<vmem>>
        %parallel_loop3A_284 = tpu.memref_squeeze %parallel_loop3A_283 : memref<1x1x8x8x137xf32, #tpu.memory_space<vmem>> -> memref<8x8x137xf32, #tpu.memory_space<vmem>>
        tpu.vector_store_idx %parallel_loop3A_284[%shift_right_arithmetic3A_13, %and3A_2, %parallel_loop3A_250], %parallel_loop3A_277 : memref<8x8x137xf32, #tpu.memory_space<vmem>>[vector<16xi32>, vector<16xi32>, vector<16xi32>], vector<16xf32>,
        %parallel_loop3A_285 = arith.constant 0 : i32
        %parallel_loop3A_286 = arith.addi %parallel_loop3A_285, %parallel_loop3A_246 : i32
        %parallel_loop3A_287 = arith.constant 0 : i32
        %parallel_loop3A_288 = arith.index_cast %parallel_loop3A_287 : i32 to index
        %parallel_loop3A_289 = arith.index_cast %parallel_loop3A_286 : i32 to index
        %parallel_loop3A_290 = arith.constant 32 : index
        %parallel_loop3A_291 = tpu.vector_load %arg6[%parallel_loop3A_288, %parallel_loop3A_289, %parallel_loop3A_290] {strides = array<i32>} : memref<2x256x64xf32, #tpu.memory_space<vmem>>, vector<16xf32>,
        %parallel_loop3A_292 = arith.constant 8.000000e+00 : f32
        %parallel_loop3A_293 = vector.broadcast %parallel_loop3A_292 : f32 to vector<16xf32>
        %parallel_loop3A_294 = arith.mulf %parallel_loop3A_291, %parallel_loop3A_293 : vector<16xf32>
        %parallel_loop3A_295 = arith.constant 0 : i32
        %parallel_loop3A_296 = arith.constant 0 : i32
        %parallel_loop3A_297 = arith.constant 0 : i32
        %parallel_loop3A_298 = arith.constant 0 : i32
        %parallel_loop3A_299 = arith.constant 0 : i32
        %parallel_loop3A_300 = tpu.memref_slice %arg7[%parallel_loop3A_295, %parallel_loop3A_296, %parallel_loop3A_297, %parallel_loop3A_298, %parallel_loop3A_299] : memref<2x2x8x8x137xf32, #tpu.memory_space<vmem>> -> memref<1x1x8x8x137xf32, #tpu.memory_space<vmem>>
        %parallel_loop3A_301 = tpu.memref_squeeze %parallel_loop3A_300 : memref<1x1x8x8x137xf32, #tpu.memory_space<vmem>> -> memref<8x8x137xf32, #tpu.memory_space<vmem>>
        tpu.vector_store_idx %parallel_loop3A_301[%shift_right_arithmetic3A_19, %and3A_2, %parallel_loop3A_250], %parallel_loop3A_294 : memref<8x8x137xf32, #tpu.memory_space<vmem>>[vector<16xi32>, vector<16xi32>, vector<16xi32>], vector<16xf32>,
        %parallel_loop3A_302 = arith.constant 0 : i32
        %parallel_loop3A_303 = arith.addi %parallel_loop3A_302, %parallel_loop3A_246 : i32
        %parallel_loop3A_304 = arith.constant 0 : i32
        %parallel_loop3A_305 = arith.index_cast %parallel_loop3A_304 : i32 to index
        %parallel_loop3A_306 = arith.index_cast %parallel_loop3A_303 : i32 to index
        %parallel_loop3A_307 = arith.constant 48 : index
        %parallel_loop3A_308 = tpu.vector_load %arg6[%parallel_loop3A_305, %parallel_loop3A_306, %parallel_loop3A_307] {strides = array<i32>} : memref<2x256x64xf32, #tpu.memory_space<vmem>>, vector<16xf32>,
        %parallel_loop3A_309 = arith.constant 8.000000e+00 : f32
        %parallel_loop3A_310 = vector.broadcast %parallel_loop3A_309 : f32 to vector<16xf32>
        %parallel_loop3A_311 = arith.mulf %parallel_loop3A_308, %parallel_loop3A_310 : vector<16xf32>
        %parallel_loop3A_312 = arith.constant 0 : i32
        %parallel_loop3A_313 = arith.constant 0 : i32
        %parallel_loop3A_314 = arith.constant 0 : i32
        %parallel_loop3A_315 = arith.constant 0 : i32
        %parallel_loop3A_316 = arith.constant 0 : i32
        %parallel_loop3A_317 = tpu.memref_slice %arg7[%parallel_loop3A_312, %parallel_loop3A_313, %parallel_loop3A_314, %parallel_loop3A_315, %parallel_loop3A_316] : memref<2x2x8x8x137xf32, #tpu.memory_space<vmem>> -> memref<1x1x8x8x137xf32, #tpu.memory_space<vmem>>
        %parallel_loop3A_318 = tpu.memref_squeeze %parallel_loop3A_317 : memref<1x1x8x8x137xf32, #tpu.memory_space<vmem>> -> memref<8x8x137xf32, #tpu.memory_space<vmem>>
        tpu.vector_store_idx %parallel_loop3A_318[%shift_right_arithmetic3A_25, %and3A_2, %parallel_loop3A_250], %parallel_loop3A_311 : memref<8x8x137xf32, #tpu.memory_space<vmem>>[vector<16xi32>, vector<16xi32>, vector<16xi32>], vector<16xf32>,
      } {sc.loop_unroll_factor = 8 : i64, sc.parallel_access}
      %parallel_loop3A_152 = arith.constant 0 : i32
      %parallel_loop3A_153 = arith.constant 128 : i32
      %parallel_loop3A_154 = arith.constant 1 : i32
      scf.for %parallel_loop3A_246 = %parallel_loop3A_152 to %parallel_loop3A_153 step %parallel_loop3A_154  : i32 {
        %parallel_loop3A_247 = arith.constant 0 : i32
        %parallel_loop3A_248 = vector.broadcast %parallel_loop3A_247 : i32 to vector<16xi32>
        %parallel_loop3A_249 = vector.broadcast %parallel_loop3A_246 : i32 to vector<16xi32>
        %parallel_loop3A_250 = arith.addi %parallel_loop3A_248, %parallel_loop3A_249 : vector<16xi32>
        %parallel_loop3A_251 = arith.constant 128 : i32
        %parallel_loop3A_252 = arith.addi %parallel_loop3A_251, %parallel_loop3A_246 : i32
        %parallel_loop3A_253 = arith.constant 0 : i32
        %parallel_loop3A_254 = arith.index_cast %parallel_loop3A_253 : i32 to index
        %parallel_loop3A_255 = arith.index_cast %parallel_loop3A_252 : i32 to index
        %parallel_loop3A_256 = arith.constant 0 : index
        %parallel_loop3A_257 = tpu.vector_load %arg6[%parallel_loop3A_254, %parallel_loop3A_255, %parallel_loop3A_256] {strides = array<i32>} : memref<2x256x64xf32, #tpu.memory_space<vmem>>, vector<16xf32>,
        %parallel_loop3A_258 = arith.constant 8.000000e+00 : f32
        %parallel_loop3A_259 = vector.broadcast %parallel_loop3A_258 : f32 to vector<16xf32>
        %parallel_loop3A_260 = arith.mulf %parallel_loop3A_257, %parallel_loop3A_259 : vector<16xf32>
        %parallel_loop3A_261 = arith.constant 0 : i32
        %parallel_loop3A_262 = arith.constant 1 : i32
        %parallel_loop3A_263 = arith.constant 0 : i32
        %parallel_loop3A_264 = arith.constant 0 : i32
        %parallel_loop3A_265 = arith.constant 0 : i32
        %parallel_loop3A_266 = tpu.memref_slice %arg7[%parallel_loop3A_261, %parallel_loop3A_262, %parallel_loop3A_263, %parallel_loop3A_264, %parallel_loop3A_265] : memref<2x2x8x8x137xf32, #tpu.memory_space<vmem>> -> memref<1x1x8x8x137xf32, #tpu.memory_space<vmem>>
        %parallel_loop3A_267 = tpu.memref_squeeze %parallel_loop3A_266 : memref<1x1x8x8x137xf32, #tpu.memory_space<vmem>> -> memref<8x8x137xf32, #tpu.memory_space<vmem>>
        tpu.vector_store_idx %parallel_loop3A_267[%shift_right_arithmetic3A_7, %and3A_2, %parallel_loop3A_250], %parallel_loop3A_260 : memref<8x8x137xf32, #tpu.memory_space<vmem>>[vector<16xi32>, vector<16xi32>, vector<16xi32>], vector<16xf32>,
        %parallel_loop3A_268 = arith.constant 128 : i32
        %parallel_loop3A_269 = arith.addi %parallel_loop3A_268, %parallel_loop3A_246 : i32
        %parallel_loop3A_270 = arith.constant 0 : i32
        %parallel_loop3A_271 = arith.index_cast %parallel_loop3A_270 : i32 to index
        %parallel_loop3A_272 = arith.index_cast %parallel_loop3A_269 : i32 to index
        %parallel_loop3A_273 = arith.constant 16 : index
        %parallel_loop3A_274 = tpu.vector_load %arg6[%parallel_loop3A_271, %parallel_loop3A_272, %parallel_loop3A_273] {strides = array<i32>} : memref<2x256x64xf32, #tpu.memory_space<vmem>>, vector<16xf32>,
        %parallel_loop3A_275 = arith.constant 8.000000e+00 : f32
        %parallel_loop3A_276 = vector.broadcast %parallel_loop3A_275 : f32 to vector<16xf32>
        %parallel_loop3A_277 = arith.mulf %parallel_loop3A_274, %parallel_loop3A_276 : vector<16xf32>
        %parallel_loop3A_278 = arith.constant 0 : i32
        %parallel_loop3A_279 = arith.constant 1 : i32
        %parallel_loop3A_280 = arith.constant 0 : i32
        %parallel_loop3A_281 = arith.constant 0 : i32
        %parallel_loop3A_282 = arith.constant 0 : i32
        %parallel_loop3A_283 = tpu.memref_slice %arg7[%parallel_loop3A_278, %parallel_loop3A_279, %parallel_loop3A_280, %parallel_loop3A_281, %parallel_loop3A_282] : memref<2x2x8x8x137xf32, #tpu.memory_space<vmem>> -> memref<1x1x8x8x137xf32, #tpu.memory_space<vmem>>
        %parallel_loop3A_284 = tpu.memref_squeeze %parallel_loop3A_283 : memref<1x1x8x8x137xf32, #tpu.memory_space<vmem>> -> memref<8x8x137xf32, #tpu.memory_space<vmem>>
        tpu.vector_store_idx %parallel_loop3A_284[%shift_right_arithmetic3A_13, %and3A_2, %parallel_loop3A_250], %parallel_loop3A_277 : memref<8x8x137xf32, #tpu.memory_space<vmem>>[vector<16xi32>, vector<16xi32>, vector<16xi32>], vector<16xf32>,
        %parallel_loop3A_285 = arith.constant 128 : i32
        %parallel_loop3A_286 = arith.addi %parallel_loop3A_285, %parallel_loop3A_246 : i32
        %parallel_loop3A_287 = arith.constant 0 : i32
        %parallel_loop3A_288 = arith.index_cast %parallel_loop3A_287 : i32 to index
        %parallel_loop3A_289 = arith.index_cast %parallel_loop3A_286 : i32 to index
        %parallel_loop3A_290 = arith.constant 32 : index
        %parallel_loop3A_291 = tpu.vector_load %arg6[%parallel_loop3A_288, %parallel_loop3A_289, %parallel_loop3A_290] {strides = array<i32>} : memref<2x256x64xf32, #tpu.memory_space<vmem>>, vector<16xf32>,
        %parallel_loop3A_292 = arith.constant 8.000000e+00 : f32
        %parallel_loop3A_293 = vector.broadcast %parallel_loop3A_292 : f32 to vector<16xf32>
        %parallel_loop3A_294 = arith.mulf %parallel_loop3A_291, %parallel_loop3A_293 : vector<16xf32>
        %parallel_loop3A_295 = arith.constant 0 : i32
        %parallel_loop3A_296 = arith.constant 1 : i32
        %parallel_loop3A_297 = arith.constant 0 : i32
        %parallel_loop3A_298 = arith.constant 0 : i32
        %parallel_loop3A_299 = arith.constant 0 : i32
        %parallel_loop3A_300 = tpu.memref_slice %arg7[%parallel_loop3A_295, %parallel_loop3A_296, %parallel_loop3A_297, %parallel_loop3A_298, %parallel_loop3A_299] : memref<2x2x8x8x137xf32, #tpu.memory_space<vmem>> -> memref<1x1x8x8x137xf32, #tpu.memory_space<vmem>>
        %parallel_loop3A_301 = tpu.memref_squeeze %parallel_loop3A_300 : memref<1x1x8x8x137xf32, #tpu.memory_space<vmem>> -> memref<8x8x137xf32, #tpu.memory_space<vmem>>
        tpu.vector_store_idx %parallel_loop3A_301[%shift_right_arithmetic3A_19, %and3A_2, %parallel_loop3A_250], %parallel_loop3A_294 : memref<8x8x137xf32, #tpu.memory_space<vmem>>[vector<16xi32>, vector<16xi32>, vector<16xi32>], vector<16xf32>,
        %parallel_loop3A_302 = arith.constant 128 : i32
        %parallel_loop3A_303 = arith.addi %parallel_loop3A_302, %parallel_loop3A_246 : i32
        %parallel_loop3A_304 = arith.constant 0 : i32
        %parallel_loop3A_305 = arith.index_cast %parallel_loop3A_304 : i32 to index
        %parallel_loop3A_306 = arith.index_cast %parallel_loop3A_303 : i32 to index
        %parallel_loop3A_307 = arith.constant 48 : index
        %parallel_loop3A_308 = tpu.vector_load %arg6[%parallel_loop3A_305, %parallel_loop3A_306, %parallel_loop3A_307] {strides = array<i32>} : memref<2x256x64xf32, #tpu.memory_space<vmem>>, vector<16xf32>,
        %parallel_loop3A_309 = arith.constant 8.000000e+00 : f32
        %parallel_loop3A_310 = vector.broadcast %parallel_loop3A_309 : f32 to vector<16xf32>
        %parallel_loop3A_311 = arith.mulf %parallel_loop3A_308, %parallel_loop3A_310 : vector<16xf32>
        %parallel_loop3A_312 = arith.constant 0 : i32
        %parallel_loop3A_313 = arith.constant 1 : i32
        %parallel_loop3A_314 = arith.constant 0 : i32
        %parallel_loop3A_315 = arith.constant 0 : i32
        %parallel_loop3A_316 = arith.constant 0 : i32
        %parallel_loop3A_317 = tpu.memref_slice %arg7[%parallel_loop3A_312, %parallel_loop3A_313, %parallel_loop3A_314, %parallel_loop3A_315, %parallel_loop3A_316] : memref<2x2x8x8x137xf32, #tpu.memory_space<vmem>> -> memref<1x1x8x8x137xf32, #tpu.memory_space<vmem>>
        %parallel_loop3A_318 = tpu.memref_squeeze %parallel_loop3A_317 : memref<1x1x8x8x137xf32, #tpu.memory_space<vmem>> -> memref<8x8x137xf32, #tpu.memory_space<vmem>>
        tpu.vector_store_idx %parallel_loop3A_318[%shift_right_arithmetic3A_25, %and3A_2, %parallel_loop3A_250], %parallel_loop3A_311 : memref<8x8x137xf32, #tpu.memory_space<vmem>>[vector<16xi32>, vector<16xi32>, vector<16xi32>], vector<16xf32>,
      } {sc.loop_unroll_factor = 8 : i64, sc.parallel_access}
      %mul3A_155 = arith.constant 2 : i32
      %mul3A_156 = arith.muli %add3A_132, %mul3A_155 : i32
      %dma_start3A_157 = arith.constant 0 : i32
      %dma_start3A_158 = arith.constant 0 : i32
      %dma_start3A_159 = arith.constant 0 : i32
      %dma_start3A_160 = arith.constant 0 : i32
      %dma_start3A_161 = arith.constant 0 : i32
      %dma_start3A_162 = tpu.memref_slice %arg7[%dma_start3A_157, %dma_start3A_158, %dma_start3A_159, %dma_start3A_160, %dma_start3A_161] : memref<2x2x8x8x137xf32, #tpu.memory_space<vmem>> -> memref<1x2x8x8x128xf32, #tpu.memory_space<vmem>>
      %dma_start3A_163 = tpu.memref_squeeze %dma_start3A_162 : memref<1x2x8x8x128xf32, #tpu.memory_space<vmem>> -> memref<2x8x8x128xf32, #tpu.memory_space<vmem>>
      %dma_start3A_164 = arith.constant 0 : i32
      %dma_start3A_165 = arith.constant 0 : i32
      %dma_start3A_166 = arith.constant 0 : i32
      %dma_start3A_167 = tpu.memref_slice %arg4[%mul3A_156, %dma_start3A_164, %add3A, %dma_start3A_165, %dma_start3A_166] : memref<200x8x32x8x128xf32, #tpu.memory_space<hbm>> -> memref<2x8x1x8x128xf32, #tpu.memory_space<hbm>>
      %dma_start3A_168 = tpu.memref_squeeze %dma_start3A_167 : memref<2x8x1x8x128xf32, #tpu.memory_space<hbm>> -> memref<2x8x8x128xf32, #tpu.memory_space<hbm>>
      %dma_start3A_169 = arith.constant 0 : i32
      %dma_start3A_170 = arith.constant 0 : i32
      %dma_start3A_171 = arith.constant 0 : i32
      %dma_start3A_172 = tpu.memref_slice %arg4[%mul3A_156, %dma_start3A_169, %add3A, %dma_start3A_170, %dma_start3A_171] : memref<200x8x32x8x128xf32, #tpu.memory_space<hbm>> -> memref<2x8x1x8x128xf32, #tpu.memory_space<hbm>>
      %dma_start3A_173 = tpu.memref_squeeze %dma_start3A_172 : memref<2x8x1x8x128xf32, #tpu.memory_space<hbm>> -> memref<2x8x8x128xf32, #tpu.memory_space<hbm>>
      %dma_start3A_174 = arith.constant 0 : i32
      %dma_start3A_175 = arith.constant 0 : i32
      %dma_start3A_176 = arith.constant 0 : i32
      %dma_start3A_177 = arith.constant 0 : i32
      %dma_start3A_178 = tpu.memref_slice %arg7[%dma_start3A_157, %dma_start3A_174, %dma_start3A_175, %dma_start3A_176, %dma_start3A_177] : memref<2x2x8x8x137xf32, #tpu.memory_space<vmem>> -> memref<1x2x8x8x128xf32, #tpu.memory_space<vmem>>
      %dma_start3A_179 = tpu.memref_squeeze %dma_start3A_178 : memref<1x2x8x8x128xf32, #tpu.memory_space<vmem>> -> memref<2x8x8x128xf32, #tpu.memory_space<vmem>>
      tpu.enqueue_dma source(%dma_start3A_179 : memref<2x8x8x128xf32, #tpu.memory_space<vmem>>) target(%dma_start3A_173 : memref<2x8x8x128xf32, #tpu.memory_space<hbm>>) target_semaphore(%arg10 : memref<!tpu.dma_semaphore, #tpu.memory_space<semaphore_mem>>)
      %add3A_180 = arith.constant 2 : i32
      %add3A_181 = arith.addi %add3A_132, %add3A_180 : i32
      %lt3A = arith.constant 100 : i32
      %lt3A_182 = arith.cmpi slt, %add3A_181, %lt3A : i32
      %convert_element_type3A_183 = arith.extui %lt3A_182 : i1 to i32
      %cond3A_184 = arith.constant 0 : i32
      %cond3A_185 = arith.cmpi ne, %convert_element_type3A_183, %cond3A_184 : i32
      scf.if %cond3A_185 {
        %add3A_246 = arith.constant 2 : i32
        %add3A_247 = arith.addi %add3A_132, %add3A_246 : i32
        %mul3A_248 = arith.constant 2 : i32
        %mul3A_249 = arith.muli %add3A_247, %mul3A_248 : i32
        %add3A_250 = arith.constant 0 : i32
        %add3A_251 = arith.addi %mul3A_249, %add3A_250 : i32
        %dma_start3A_252 = arith.constant 0 : i32
        %dma_start3A_253 = arith.constant 0 : i32
        %dma_start3A_254 = arith.constant 0 : i32
        %dma_start3A_255 = tpu.memref_slice %arg6[%dma_start3A_252, %dma_start3A_253, %dma_start3A_254] : memref<2x256x64xf32, #tpu.memory_space<vmem>> -> memref<1x128x64xf32, #tpu.memory_space<vmem>>
        %dma_start3A_256 = tpu.memref_squeeze %dma_start3A_255 : memref<1x128x64xf32, #tpu.memory_space<vmem>> -> memref<128x64xf32, #tpu.memory_space<vmem>>
        %dma_start3A_257 = arith.constant 0 : i32
        %dma_start3A_258 = tpu.memref_slice %arg5[%add3A_251, %dma_start3A_257] : memref<200x128xi32, #tpu.memory_space<vmem>> -> memref<1x128xi32, #tpu.memory_space<vmem>>
        %dma_start3A_259 = tpu.memref_squeeze %dma_start3A_258 : memref<1x128xi32, #tpu.memory_space<vmem>> -> memref<128xi32, #tpu.memory_space<vmem>>
        %dma_start3A_260 = arith.constant 0 : i32
        %dma_start3A_261 = arith.constant 0 : i32
        %dma_start3A_262 = tpu.memref_slice %arg3[%dma_start3A_260, %dma_start3A_261] : memref<1000000x64xf32, #tpu.memory_space<hbm>> -> memref<1000000x64xf32, #tpu.memory_space<hbm>>
        tpu.enqueue_indirect_dma source(%dma_start3A_262 : memref<1000000x64xf32, #tpu.memory_space<hbm>>) target(%dma_start3A_256 : memref<128x64xf32, #tpu.memory_space<vmem>>) offsets(%dma_start3A_259 : memref<128xi32, #tpu.memory_space<vmem>>) semaphore(%arg8 : memref<!tpu.dma_semaphore, #tpu.memory_space<semaphore_mem>>)
        %mul3A_263 = arith.constant 2 : i32
        %mul3A_264 = arith.muli %add3A_247, %mul3A_263 : i32
        %add3A_265 = arith.constant 1 : i32
        %add3A_266 = arith.addi %mul3A_264, %add3A_265 : i32
        %dma_start3A_267 = arith.constant 0 : i32
        %dma_start3A_268 = arith.constant 128 : i32
        %dma_start3A_269 = arith.constant 0 : i32
        %dma_start3A_270 = tpu.memref_slice %arg6[%dma_start3A_267, %dma_start3A_268, %dma_start3A_269] : memref<2x256x64xf32, #tpu.memory_space<vmem>> -> memref<1x128x64xf32, #tpu.memory_space<vmem>>
        %dma_start3A_271 = tpu.memref_squeeze %dma_start3A_270 : memref<1x128x64xf32, #tpu.memory_space<vmem>> -> memref<128x64xf32, #tpu.memory_space<vmem>>
        %dma_start3A_272 = arith.constant 0 : i32
        %dma_start3A_273 = tpu.memref_slice %arg5[%add3A_266, %dma_start3A_272] : memref<200x128xi32, #tpu.memory_space<vmem>> -> memref<1x128xi32, #tpu.memory_space<vmem>>
        %dma_start3A_274 = tpu.memref_squeeze %dma_start3A_273 : memref<1x128xi32, #tpu.memory_space<vmem>> -> memref<128xi32, #tpu.memory_space<vmem>>
        %dma_start3A_275 = arith.constant 0 : i32
        %dma_start3A_276 = arith.constant 0 : i32
        %dma_start3A_277 = tpu.memref_slice %arg3[%dma_start3A_275, %dma_start3A_276] : memref<1000000x64xf32, #tpu.memory_space<hbm>> -> memref<1000000x64xf32, #tpu.memory_space<hbm>>
        tpu.enqueue_indirect_dma source(%dma_start3A_277 : memref<1000000x64xf32, #tpu.memory_space<hbm>>) target(%dma_start3A_271 : memref<128x64xf32, #tpu.memory_space<vmem>>) offsets(%dma_start3A_274 : memref<128xi32, #tpu.memory_space<vmem>>) semaphore(%arg8 : memref<!tpu.dma_semaphore, #tpu.memory_space<semaphore_mem>>)
      } else {
      }
      %add3A_186 = arith.constant 1 : i32
      %add3A_187 = arith.addi %add3A_130, %add3A_186 : i32
      %dma_wait3A_188 = arith.constant 1 : i32
      %dma_wait3A_189 = arith.constant 0 : i32
      %dma_wait3A_190 = arith.constant 0 : i32
      %dma_wait3A_191 = tpu.memref_slice %arg6[%dma_wait3A_188, %dma_wait3A_189, %dma_wait3A_190] : memref<2x256x64xf32, #tpu.memory_space<vmem>> -> memref<1x256x64xf32, #tpu.memory_space<vmem>>
      %dma_wait3A_192 = tpu.memref_squeeze %dma_wait3A_191 : memref<1x256x64xf32, #tpu.memory_space<vmem>> -> memref<256x64xf32, #tpu.memory_space<vmem>>
      %dma_wait3A_193 = arith.constant 0 : i32
      %dma_wait3A_194 = arith.constant 0 : i32
      %dma_wait3A_195 = tpu.memref_slice %arg3[%dma_wait3A_193, %dma_wait3A_194] : memref<1000000x64xf32, #tpu.memory_space<hbm>> -> memref<256x64xf32, #tpu.memory_space<hbm>>
      %dma_wait3A_196 = arith.constant 0 : i32
      %dma_wait3A_197 = arith.constant 0 : i32
      %dma_wait3A_198 = tpu.memref_slice %arg6[%dma_wait3A_188, %dma_wait3A_196, %dma_wait3A_197] : memref<2x256x64xf32, #tpu.memory_space<vmem>> -> memref<1x256x64xf32, #tpu.memory_space<vmem>>
      %dma_wait3A_199 = tpu.memref_squeeze %dma_wait3A_198 : memref<1x256x64xf32, #tpu.memory_space<vmem>> -> memref<256x64xf32, #tpu.memory_space<vmem>>
      %dma_wait3A_200 = arith.constant 0 : i32
      %dma_wait3A_201 = arith.constant 0 : i32
      %dma_wait3A_202 = tpu.memref_slice %arg3[%dma_wait3A_200, %dma_wait3A_201] : memref<1000000x64xf32, #tpu.memory_space<hbm>> -> memref<256x64xf32, #tpu.memory_space<hbm>>
      tpu.wait_dma2 semaphore(%arg9 : memref<!tpu.dma_semaphore, #tpu.memory_space<semaphore_mem>>) src(%dma_wait3A_202 : memref<256x64xf32, #tpu.memory_space<hbm>>) dst(%dma_wait3A_199 : memref<256x64xf32, #tpu.memory_space<vmem>>)
      %ge3A_203 = arith.constant 2 : i32
      %ge3A_204 = arith.cmpi sge, %add3A_187, %ge3A_203 : i32
      %convert_element_type3A_205 = arith.extui %ge3A_204 : i1 to i32
      %cond3A_206 = arith.constant 0 : i32
      %cond3A_207 = arith.cmpi ne, %convert_element_type3A_205, %cond3A_206 : i32
      scf.if %cond3A_207 {
        %sub3A = arith.constant 2 : i32
        %sub3A_246 = arith.subi %add3A_187, %sub3A : i32
        %mul3A_247 = arith.constant 2 : i32
        %mul3A_248 = arith.muli %sub3A_246, %mul3A_247 : i32
        %dma_wait3A_249 = arith.constant 1 : i32
        %dma_wait3A_250 = arith.constant 0 : i32
        %dma_wait3A_251 = arith.constant 0 : i32
        %dma_wait3A_252 = arith.constant 0 : i32
        %dma_wait3A_253 = arith.constant 0 : i32
        %dma_wait3A_254 = tpu.memref_slice %arg7[%dma_wait3A_249, %dma_wait3A_250, %dma_wait3A_251, %dma_wait3A_252, %dma_wait3A_253] : memref<2x2x8x8x137xf32, #tpu.memory_space<vmem>> -> memref<1x2x8x8x128xf32, #tpu.memory_space<vmem>>
        %dma_wait3A_255 = tpu.memref_squeeze %dma_wait3A_254 : memref<1x2x8x8x128xf32, #tpu.memory_space<vmem>> -> memref<2x8x8x128xf32, #tpu.memory_space<vmem>>
        %dma_wait3A_256 = arith.constant 0 : i32
        %dma_wait3A_257 = arith.constant 0 : i32
        %dma_wait3A_258 = arith.constant 0 : i32
        %dma_wait3A_259 = tpu.memref_slice %arg4[%mul3A_248, %dma_wait3A_256, %add3A, %dma_wait3A_257, %dma_wait3A_258] : memref<200x8x32x8x128xf32, #tpu.memory_space<hbm>> -> memref<2x8x1x8x128xf32, #tpu.memory_space<hbm>>
        %dma_wait3A_260 = tpu.memref_squeeze %dma_wait3A_259 : memref<2x8x1x8x128xf32, #tpu.memory_space<hbm>> -> memref<2x8x8x128xf32, #tpu.memory_space<hbm>>
        %dma_wait3A_261 = arith.constant 0 : i32
        %dma_wait3A_262 = arith.constant 0 : i32
        %dma_wait3A_263 = arith.constant 0 : i32
        %dma_wait3A_264 = tpu.memref_slice %arg4[%mul3A_248, %dma_wait3A_261, %add3A, %dma_wait3A_262, %dma_wait3A_263] : memref<200x8x32x8x128xf32, #tpu.memory_space<hbm>> -> memref<2x8x1x8x128xf32, #tpu.memory_space<hbm>>
        %dma_wait3A_265 = tpu.memref_squeeze %dma_wait3A_264 : memref<2x8x1x8x128xf32, #tpu.memory_space<hbm>> -> memref<2x8x8x128xf32, #tpu.memory_space<hbm>>
        %dma_wait3A_266 = arith.constant 0 : i32
        %dma_wait3A_267 = arith.constant 0 : i32
        %dma_wait3A_268 = arith.constant 0 : i32
        %dma_wait3A_269 = arith.constant 0 : i32
        %dma_wait3A_270 = tpu.memref_slice %arg7[%dma_wait3A_249, %dma_wait3A_266, %dma_wait3A_267, %dma_wait3A_268, %dma_wait3A_269] : memref<2x2x8x8x137xf32, #tpu.memory_space<vmem>> -> memref<1x2x8x8x128xf32, #tpu.memory_space<vmem>>
        %dma_wait3A_271 = tpu.memref_squeeze %dma_wait3A_270 : memref<1x2x8x8x128xf32, #tpu.memory_space<vmem>> -> memref<2x8x8x128xf32, #tpu.memory_space<vmem>>
        tpu.wait_dma2 semaphore(%arg11 : memref<!tpu.dma_semaphore, #tpu.memory_space<semaphore_mem>>) src(%dma_wait3A_271 : memref<2x8x8x128xf32, #tpu.memory_space<vmem>>) dst(%dma_wait3A_265 : memref<2x8x8x128xf32, #tpu.memory_space<hbm>>)
      } else {
      }
      %parallel_loop3A_208 = arith.constant 0 : i32
      %parallel_loop3A_209 = arith.constant 128 : i32
      %parallel_loop3A_210 = arith.constant 1 : i32
      scf.for %parallel_loop3A_246 = %parallel_loop3A_208 to %parallel_loop3A_209 step %parallel_loop3A_210  : i32 {
        %parallel_loop3A_247 = arith.constant 0 : i32
        %parallel_loop3A_248 = vector.broadcast %parallel_loop3A_247 : i32 to vector<16xi32>
        %parallel_loop3A_249 = vector.broadcast %parallel_loop3A_246 : i32 to vector<16xi32>
        %parallel_loop3A_250 = arith.addi %parallel_loop3A_248, %parallel_loop3A_249 : vector<16xi32>
        %parallel_loop3A_251 = arith.constant 0 : i32
        %parallel_loop3A_252 = arith.addi %parallel_loop3A_251, %parallel_loop3A_246 : i32
        %parallel_loop3A_253 = arith.constant 1 : i32
        %parallel_loop3A_254 = arith.index_cast %parallel_loop3A_253 : i32 to index
        %parallel_loop3A_255 = arith.index_cast %parallel_loop3A_252 : i32 to index
        %parallel_loop3A_256 = arith.constant 0 : index
        %parallel_loop3A_257 = tpu.vector_load %arg6[%parallel_loop3A_254, %parallel_loop3A_255, %parallel_loop3A_256] {strides = array<i32>} : memref<2x256x64xf32, #tpu.memory_space<vmem>>, vector<16xf32>,
        %parallel_loop3A_258 = arith.constant 8.000000e+00 : f32
        %parallel_loop3A_259 = vector.broadcast %parallel_loop3A_258 : f32 to vector<16xf32>
        %parallel_loop3A_260 = arith.mulf %parallel_loop3A_257, %parallel_loop3A_259 : vector<16xf32>
        %parallel_loop3A_261 = arith.constant 1 : i32
        %parallel_loop3A_262 = arith.constant 0 : i32
        %parallel_loop3A_263 = arith.constant 0 : i32
        %parallel_loop3A_264 = arith.constant 0 : i32
        %parallel_loop3A_265 = arith.constant 0 : i32
        %parallel_loop3A_266 = tpu.memref_slice %arg7[%parallel_loop3A_261, %parallel_loop3A_262, %parallel_loop3A_263, %parallel_loop3A_264, %parallel_loop3A_265] : memref<2x2x8x8x137xf32, #tpu.memory_space<vmem>> -> memref<1x1x8x8x137xf32, #tpu.memory_space<vmem>>
        %parallel_loop3A_267 = tpu.memref_squeeze %parallel_loop3A_266 : memref<1x1x8x8x137xf32, #tpu.memory_space<vmem>> -> memref<8x8x137xf32, #tpu.memory_space<vmem>>
        tpu.vector_store_idx %parallel_loop3A_267[%shift_right_arithmetic3A_7, %and3A_2, %parallel_loop3A_250], %parallel_loop3A_260 : memref<8x8x137xf32, #tpu.memory_space<vmem>>[vector<16xi32>, vector<16xi32>, vector<16xi32>], vector<16xf32>,
        %parallel_loop3A_268 = arith.constant 0 : i32
        %parallel_loop3A_269 = arith.addi %parallel_loop3A_268, %parallel_loop3A_246 : i32
        %parallel_loop3A_270 = arith.constant 1 : i32
        %parallel_loop3A_271 = arith.index_cast %parallel_loop3A_270 : i32 to index
        %parallel_loop3A_272 = arith.index_cast %parallel_loop3A_269 : i32 to index
        %parallel_loop3A_273 = arith.constant 16 : index
        %parallel_loop3A_274 = tpu.vector_load %arg6[%parallel_loop3A_271, %parallel_loop3A_272, %parallel_loop3A_273] {strides = array<i32>} : memref<2x256x64xf32, #tpu.memory_space<vmem>>, vector<16xf32>,
        %parallel_loop3A_275 = arith.constant 8.000000e+00 : f32
        %parallel_loop3A_276 = vector.broadcast %parallel_loop3A_275 : f32 to vector<16xf32>
        %parallel_loop3A_277 = arith.mulf %parallel_loop3A_274, %parallel_loop3A_276 : vector<16xf32>
        %parallel_loop3A_278 = arith.constant 1 : i32
        %parallel_loop3A_279 = arith.constant 0 : i32
        %parallel_loop3A_280 = arith.constant 0 : i32
        %parallel_loop3A_281 = arith.constant 0 : i32
        %parallel_loop3A_282 = arith.constant 0 : i32
        %parallel_loop3A_283 = tpu.memref_slice %arg7[%parallel_loop3A_278, %parallel_loop3A_279, %parallel_loop3A_280, %parallel_loop3A_281, %parallel_loop3A_282] : memref<2x2x8x8x137xf32, #tpu.memory_space<vmem>> -> memref<1x1x8x8x137xf32, #tpu.memory_space<vmem>>
        %parallel_loop3A_284 = tpu.memref_squeeze %parallel_loop3A_283 : memref<1x1x8x8x137xf32, #tpu.memory_space<vmem>> -> memref<8x8x137xf32, #tpu.memory_space<vmem>>
        tpu.vector_store_idx %parallel_loop3A_284[%shift_right_arithmetic3A_13, %and3A_2, %parallel_loop3A_250], %parallel_loop3A_277 : memref<8x8x137xf32, #tpu.memory_space<vmem>>[vector<16xi32>, vector<16xi32>, vector<16xi32>], vector<16xf32>,
        %parallel_loop3A_285 = arith.constant 0 : i32
        %parallel_loop3A_286 = arith.addi %parallel_loop3A_285, %parallel_loop3A_246 : i32
        %parallel_loop3A_287 = arith.constant 1 : i32
        %parallel_loop3A_288 = arith.index_cast %parallel_loop3A_287 : i32 to index
        %parallel_loop3A_289 = arith.index_cast %parallel_loop3A_286 : i32 to index
        %parallel_loop3A_290 = arith.constant 32 : index
        %parallel_loop3A_291 = tpu.vector_load %arg6[%parallel_loop3A_288, %parallel_loop3A_289, %parallel_loop3A_290] {strides = array<i32>} : memref<2x256x64xf32, #tpu.memory_space<vmem>>, vector<16xf32>,
        %parallel_loop3A_292 = arith.constant 8.000000e+00 : f32
        %parallel_loop3A_293 = vector.broadcast %parallel_loop3A_292 : f32 to vector<16xf32>
        %parallel_loop3A_294 = arith.mulf %parallel_loop3A_291, %parallel_loop3A_293 : vector<16xf32>
        %parallel_loop3A_295 = arith.constant 1 : i32
        %parallel_loop3A_296 = arith.constant 0 : i32
        %parallel_loop3A_297 = arith.constant 0 : i32
        %parallel_loop3A_298 = arith.constant 0 : i32
        %parallel_loop3A_299 = arith.constant 0 : i32
        %parallel_loop3A_300 = tpu.memref_slice %arg7[%parallel_loop3A_295, %parallel_loop3A_296, %parallel_loop3A_297, %parallel_loop3A_298, %parallel_loop3A_299] : memref<2x2x8x8x137xf32, #tpu.memory_space<vmem>> -> memref<1x1x8x8x137xf32, #tpu.memory_space<vmem>>
        %parallel_loop3A_301 = tpu.memref_squeeze %parallel_loop3A_300 : memref<1x1x8x8x137xf32, #tpu.memory_space<vmem>> -> memref<8x8x137xf32, #tpu.memory_space<vmem>>
        tpu.vector_store_idx %parallel_loop3A_301[%shift_right_arithmetic3A_19, %and3A_2, %parallel_loop3A_250], %parallel_loop3A_294 : memref<8x8x137xf32, #tpu.memory_space<vmem>>[vector<16xi32>, vector<16xi32>, vector<16xi32>], vector<16xf32>,
        %parallel_loop3A_302 = arith.constant 0 : i32
        %parallel_loop3A_303 = arith.addi %parallel_loop3A_302, %parallel_loop3A_246 : i32
        %parallel_loop3A_304 = arith.constant 1 : i32
        %parallel_loop3A_305 = arith.index_cast %parallel_loop3A_304 : i32 to index
        %parallel_loop3A_306 = arith.index_cast %parallel_loop3A_303 : i32 to index
        %parallel_loop3A_307 = arith.constant 48 : index
        %parallel_loop3A_308 = tpu.vector_load %arg6[%parallel_loop3A_305, %parallel_loop3A_306, %parallel_loop3A_307] {strides = array<i32>} : memref<2x256x64xf32, #tpu.memory_space<vmem>>, vector<16xf32>,
        %parallel_loop3A_309 = arith.constant 8.000000e+00 : f32
        %parallel_loop3A_310 = vector.broadcast %parallel_loop3A_309 : f32 to vector<16xf32>
        %parallel_loop3A_311 = arith.mulf %parallel_loop3A_308, %parallel_loop3A_310 : vector<16xf32>
        %parallel_loop3A_312 = arith.constant 1 : i32
        %parallel_loop3A_313 = arith.constant 0 : i32
        %parallel_loop3A_314 = arith.constant 0 : i32
        %parallel_loop3A_315 = arith.constant 0 : i32
        %parallel_loop3A_316 = arith.constant 0 : i32
        %parallel_loop3A_317 = tpu.memref_slice %arg7[%parallel_loop3A_312, %parallel_loop3A_313, %parallel_loop3A_314, %parallel_loop3A_315, %parallel_loop3A_316] : memref<2x2x8x8x137xf32, #tpu.memory_space<vmem>> -> memref<1x1x8x8x137xf32, #tpu.memory_space<vmem>>
        %parallel_loop3A_318 = tpu.memref_squeeze %parallel_loop3A_317 : memref<1x1x8x8x137xf32, #tpu.memory_space<vmem>> -> memref<8x8x137xf32, #tpu.memory_space<vmem>>
        tpu.vector_store_idx %parallel_loop3A_318[%shift_right_arithmetic3A_25, %and3A_2, %parallel_loop3A_250], %parallel_loop3A_311 : memref<8x8x137xf32, #tpu.memory_space<vmem>>[vector<16xi32>, vector<16xi32>, vector<16xi32>], vector<16xf32>,
      } {sc.loop_unroll_factor = 8 : i64, sc.parallel_access}
      %parallel_loop3A_211 = arith.constant 0 : i32
      %parallel_loop3A_212 = arith.constant 128 : i32
      %parallel_loop3A_213 = arith.constant 1 : i32
      scf.for %parallel_loop3A_246 = %parallel_loop3A_211 to %parallel_loop3A_212 step %parallel_loop3A_213  : i32 {
        %parallel_loop3A_247 = arith.constant 0 : i32
        %parallel_loop3A_248 = vector.broadcast %parallel_loop3A_247 : i32 to vector<16xi32>
        %parallel_loop3A_249 = vector.broadcast %parallel_loop3A_246 : i32 to vector<16xi32>
        %parallel_loop3A_250 = arith.addi %parallel_loop3A_248, %parallel_loop3A_249 : vector<16xi32>
        %parallel_loop3A_251 = arith.constant 128 : i32
        %parallel_loop3A_252 = arith.addi %parallel_loop3A_251, %parallel_loop3A_246 : i32
        %parallel_loop3A_253 = arith.constant 1 : i32
        %parallel_loop3A_254 = arith.index_cast %parallel_loop3A_253 : i32 to index
        %parallel_loop3A_255 = arith.index_cast %parallel_loop3A_252 : i32 to index
        %parallel_loop3A_256 = arith.constant 0 : index
        %parallel_loop3A_257 = tpu.vector_load %arg6[%parallel_loop3A_254, %parallel_loop3A_255, %parallel_loop3A_256] {strides = array<i32>} : memref<2x256x64xf32, #tpu.memory_space<vmem>>, vector<16xf32>,
        %parallel_loop3A_258 = arith.constant 8.000000e+00 : f32
        %parallel_loop3A_259 = vector.broadcast %parallel_loop3A_258 : f32 to vector<16xf32>
        %parallel_loop3A_260 = arith.mulf %parallel_loop3A_257, %parallel_loop3A_259 : vector<16xf32>
        %parallel_loop3A_261 = arith.constant 1 : i32
        %parallel_loop3A_262 = arith.constant 1 : i32
        %parallel_loop3A_263 = arith.constant 0 : i32
        %parallel_loop3A_264 = arith.constant 0 : i32
        %parallel_loop3A_265 = arith.constant 0 : i32
        %parallel_loop3A_266 = tpu.memref_slice %arg7[%parallel_loop3A_261, %parallel_loop3A_262, %parallel_loop3A_263, %parallel_loop3A_264, %parallel_loop3A_265] : memref<2x2x8x8x137xf32, #tpu.memory_space<vmem>> -> memref<1x1x8x8x137xf32, #tpu.memory_space<vmem>>
        %parallel_loop3A_267 = tpu.memref_squeeze %parallel_loop3A_266 : memref<1x1x8x8x137xf32, #tpu.memory_space<vmem>> -> memref<8x8x137xf32, #tpu.memory_space<vmem>>
        tpu.vector_store_idx %parallel_loop3A_267[%shift_right_arithmetic3A_7, %and3A_2, %parallel_loop3A_250], %parallel_loop3A_260 : memref<8x8x137xf32, #tpu.memory_space<vmem>>[vector<16xi32>, vector<16xi32>, vector<16xi32>], vector<16xf32>,
        %parallel_loop3A_268 = arith.constant 128 : i32
        %parallel_loop3A_269 = arith.addi %parallel_loop3A_268, %parallel_loop3A_246 : i32
        %parallel_loop3A_270 = arith.constant 1 : i32
        %parallel_loop3A_271 = arith.index_cast %parallel_loop3A_270 : i32 to index
        %parallel_loop3A_272 = arith.index_cast %parallel_loop3A_269 : i32 to index
        %parallel_loop3A_273 = arith.constant 16 : index
        %parallel_loop3A_274 = tpu.vector_load %arg6[%parallel_loop3A_271, %parallel_loop3A_272, %parallel_loop3A_273] {strides = array<i32>} : memref<2x256x64xf32, #tpu.memory_space<vmem>>, vector<16xf32>,
        %parallel_loop3A_275 = arith.constant 8.000000e+00 : f32
        %parallel_loop3A_276 = vector.broadcast %parallel_loop3A_275 : f32 to vector<16xf32>
        %parallel_loop3A_277 = arith.mulf %parallel_loop3A_274, %parallel_loop3A_276 : vector<16xf32>
        %parallel_loop3A_278 = arith.constant 1 : i32
        %parallel_loop3A_279 = arith.constant 1 : i32
        %parallel_loop3A_280 = arith.constant 0 : i32
        %parallel_loop3A_281 = arith.constant 0 : i32
        %parallel_loop3A_282 = arith.constant 0 : i32
        %parallel_loop3A_283 = tpu.memref_slice %arg7[%parallel_loop3A_278, %parallel_loop3A_279, %parallel_loop3A_280, %parallel_loop3A_281, %parallel_loop3A_282] : memref<2x2x8x8x137xf32, #tpu.memory_space<vmem>> -> memref<1x1x8x8x137xf32, #tpu.memory_space<vmem>>
        %parallel_loop3A_284 = tpu.memref_squeeze %parallel_loop3A_283 : memref<1x1x8x8x137xf32, #tpu.memory_space<vmem>> -> memref<8x8x137xf32, #tpu.memory_space<vmem>>
        tpu.vector_store_idx %parallel_loop3A_284[%shift_right_arithmetic3A_13, %and3A_2, %parallel_loop3A_250], %parallel_loop3A_277 : memref<8x8x137xf32, #tpu.memory_space<vmem>>[vector<16xi32>, vector<16xi32>, vector<16xi32>], vector<16xf32>,
        %parallel_loop3A_285 = arith.constant 128 : i32
        %parallel_loop3A_286 = arith.addi %parallel_loop3A_285, %parallel_loop3A_246 : i32
        %parallel_loop3A_287 = arith.constant 1 : i32
        %parallel_loop3A_288 = arith.index_cast %parallel_loop3A_287 : i32 to index
        %parallel_loop3A_289 = arith.index_cast %parallel_loop3A_286 : i32 to index
        %parallel_loop3A_290 = arith.constant 32 : index
        %parallel_loop3A_291 = tpu.vector_load %arg6[%parallel_loop3A_288, %parallel_loop3A_289, %parallel_loop3A_290] {strides = array<i32>} : memref<2x256x64xf32, #tpu.memory_space<vmem>>, vector<16xf32>,
        %parallel_loop3A_292 = arith.constant 8.000000e+00 : f32
        %parallel_loop3A_293 = vector.broadcast %parallel_loop3A_292 : f32 to vector<16xf32>
        %parallel_loop3A_294 = arith.mulf %parallel_loop3A_291, %parallel_loop3A_293 : vector<16xf32>
        %parallel_loop3A_295 = arith.constant 1 : i32
        %parallel_loop3A_296 = arith.constant 1 : i32
        %parallel_loop3A_297 = arith.constant 0 : i32
        %parallel_loop3A_298 = arith.constant 0 : i32
        %parallel_loop3A_299 = arith.constant 0 : i32
        %parallel_loop3A_300 = tpu.memref_slice %arg7[%parallel_loop3A_295, %parallel_loop3A_296, %parallel_loop3A_297, %parallel_loop3A_298, %parallel_loop3A_299] : memref<2x2x8x8x137xf32, #tpu.memory_space<vmem>> -> memref<1x1x8x8x137xf32, #tpu.memory_space<vmem>>
        %parallel_loop3A_301 = tpu.memref_squeeze %parallel_loop3A_300 : memref<1x1x8x8x137xf32, #tpu.memory_space<vmem>> -> memref<8x8x137xf32, #tpu.memory_space<vmem>>
        tpu.vector_store_idx %parallel_loop3A_301[%shift_right_arithmetic3A_19, %and3A_2, %parallel_loop3A_250], %parallel_loop3A_294 : memref<8x8x137xf32, #tpu.memory_space<vmem>>[vector<16xi32>, vector<16xi32>, vector<16xi32>], vector<16xf32>,
        %parallel_loop3A_302 = arith.constant 128 : i32
        %parallel_loop3A_303 = arith.addi %parallel_loop3A_302, %parallel_loop3A_246 : i32
        %parallel_loop3A_304 = arith.constant 1 : i32
        %parallel_loop3A_305 = arith.index_cast %parallel_loop3A_304 : i32 to index
        %parallel_loop3A_306 = arith.index_cast %parallel_loop3A_303 : i32 to index
        %parallel_loop3A_307 = arith.constant 48 : index
        %parallel_loop3A_308 = tpu.vector_load %arg6[%parallel_loop3A_305, %parallel_loop3A_306, %parallel_loop3A_307] {strides = array<i32>} : memref<2x256x64xf32, #tpu.memory_space<vmem>>, vector<16xf32>,
        %parallel_loop3A_309 = arith.constant 8.000000e+00 : f32
        %parallel_loop3A_310 = vector.broadcast %parallel_loop3A_309 : f32 to vector<16xf32>
        %parallel_loop3A_311 = arith.mulf %parallel_loop3A_308, %parallel_loop3A_310 : vector<16xf32>
        %parallel_loop3A_312 = arith.constant 1 : i32
        %parallel_loop3A_313 = arith.constant 1 : i32
        %parallel_loop3A_314 = arith.constant 0 : i32
        %parallel_loop3A_315 = arith.constant 0 : i32
        %parallel_loop3A_316 = arith.constant 0 : i32
        %parallel_loop3A_317 = tpu.memref_slice %arg7[%parallel_loop3A_312, %parallel_loop3A_313, %parallel_loop3A_314, %parallel_loop3A_315, %parallel_loop3A_316] : memref<2x2x8x8x137xf32, #tpu.memory_space<vmem>> -> memref<1x1x8x8x137xf32, #tpu.memory_space<vmem>>
        %parallel_loop3A_318 = tpu.memref_squeeze %parallel_loop3A_317 : memref<1x1x8x8x137xf32, #tpu.memory_space<vmem>> -> memref<8x8x137xf32, #tpu.memory_space<vmem>>
        tpu.vector_store_idx %parallel_loop3A_318[%shift_right_arithmetic3A_25, %and3A_2, %parallel_loop3A_250], %parallel_loop3A_311 : memref<8x8x137xf32, #tpu.memory_space<vmem>>[vector<16xi32>, vector<16xi32>, vector<16xi32>], vector<16xf32>,
      } {sc.loop_unroll_factor = 8 : i64, sc.parallel_access}
      %mul3A_214 = arith.constant 2 : i32
      %mul3A_215 = arith.muli %add3A_187, %mul3A_214 : i32
      %dma_start3A_216 = arith.constant 1 : i32
      %dma_start3A_217 = arith.constant 0 : i32
      %dma_start3A_218 = arith.constant 0 : i32
      %dma_start3A_219 = arith.constant 0 : i32
      %dma_start3A_220 = arith.constant 0 : i32
      %dma_start3A_221 = tpu.memref_slice %arg7[%dma_start3A_216, %dma_start3A_217, %dma_start3A_218, %dma_start3A_219, %dma_start3A_220] : memref<2x2x8x8x137xf32, #tpu.memory_space<vmem>> -> memref<1x2x8x8x128xf32, #tpu.memory_space<vmem>>
      %dma_start3A_222 = tpu.memref_squeeze %dma_start3A_221 : memref<1x2x8x8x128xf32, #tpu.memory_space<vmem>> -> memref<2x8x8x128xf32, #tpu.memory_space<vmem>>
      %dma_start3A_223 = arith.constant 0 : i32
      %dma_start3A_224 = arith.constant 0 : i32
      %dma_start3A_225 = arith.constant 0 : i32
      %dma_start3A_226 = tpu.memref_slice %arg4[%mul3A_215, %dma_start3A_223, %add3A, %dma_start3A_224, %dma_start3A_225] : memref<200x8x32x8x128xf32, #tpu.memory_space<hbm>> -> memref<2x8x1x8x128xf32, #tpu.memory_space<hbm>>
      %dma_start3A_227 = tpu.memref_squeeze %dma_start3A_226 : memref<2x8x1x8x128xf32, #tpu.memory_space<hbm>> -> memref<2x8x8x128xf32, #tpu.memory_space<hbm>>
      %dma_start3A_228 = arith.constant 0 : i32
      %dma_start3A_229 = arith.constant 0 : i32
      %dma_start3A_230 = arith.constant 0 : i32
      %dma_start3A_231 = tpu.memref_slice %arg4[%mul3A_215, %dma_start3A_228, %add3A, %dma_start3A_229, %dma_start3A_230] : memref<200x8x32x8x128xf32, #tpu.memory_space<hbm>> -> memref<2x8x1x8x128xf32, #tpu.memory_space<hbm>>
      %dma_start3A_232 = tpu.memref_squeeze %dma_start3A_231 : memref<2x8x1x8x128xf32, #tpu.memory_space<hbm>> -> memref<2x8x8x128xf32, #tpu.memory_space<hbm>>
      %dma_start3A_233 = arith.constant 0 : i32
      %dma_start3A_234 = arith.constant 0 : i32
      %dma_start3A_235 = arith.constant 0 : i32
      %dma_start3A_236 = arith.constant 0 : i32
      %dma_start3A_237 = tpu.memref_slice %arg7[%dma_start3A_216, %dma_start3A_233, %dma_start3A_234, %dma_start3A_235, %dma_start3A_236] : memref<2x2x8x8x137xf32, #tpu.memory_space<vmem>> -> memref<1x2x8x8x128xf32, #tpu.memory_space<vmem>>
      %dma_start3A_238 = tpu.memref_squeeze %dma_start3A_237 : memref<1x2x8x8x128xf32, #tpu.memory_space<vmem>> -> memref<2x8x8x128xf32, #tpu.memory_space<vmem>>
      tpu.enqueue_dma source(%dma_start3A_238 : memref<2x8x8x128xf32, #tpu.memory_space<vmem>>) target(%dma_start3A_232 : memref<2x8x8x128xf32, #tpu.memory_space<hbm>>) target_semaphore(%arg11 : memref<!tpu.dma_semaphore, #tpu.memory_space<semaphore_mem>>)
      %add3A_239 = arith.constant 2 : i32
      %add3A_240 = arith.addi %add3A_187, %add3A_239 : i32
      %lt3A_241 = arith.constant 100 : i32
      %lt3A_242 = arith.cmpi slt, %add3A_240, %lt3A_241 : i32
      %convert_element_type3A_243 = arith.extui %lt3A_242 : i1 to i32
      %cond3A_244 = arith.constant 0 : i32
      %cond3A_245 = arith.cmpi ne, %convert_element_type3A_243, %cond3A_244 : i32
      scf.if %cond3A_245 {
        %add3A_246 = arith.constant 2 : i32
        %add3A_247 = arith.addi %add3A_187, %add3A_246 : i32
        %mul3A_248 = arith.constant 2 : i32
        %mul3A_249 = arith.muli %add3A_247, %mul3A_248 : i32
        %add3A_250 = arith.constant 0 : i32
        %add3A_251 = arith.addi %mul3A_249, %add3A_250 : i32
        %dma_start3A_252 = arith.constant 1 : i32
        %dma_start3A_253 = arith.constant 0 : i32
        %dma_start3A_254 = arith.constant 0 : i32
        %dma_start3A_255 = tpu.memref_slice %arg6[%dma_start3A_252, %dma_start3A_253, %dma_start3A_254] : memref<2x256x64xf32, #tpu.memory_space<vmem>> -> memref<1x128x64xf32, #tpu.memory_space<vmem>>
        %dma_start3A_256 = tpu.memref_squeeze %dma_start3A_255 : memref<1x128x64xf32, #tpu.memory_space<vmem>> -> memref<128x64xf32, #tpu.memory_space<vmem>>
        %dma_start3A_257 = arith.constant 0 : i32
        %dma_start3A_258 = tpu.memref_slice %arg5[%add3A_251, %dma_start3A_257] : memref<200x128xi32, #tpu.memory_space<vmem>> -> memref<1x128xi32, #tpu.memory_space<vmem>>
        %dma_start3A_259 = tpu.memref_squeeze %dma_start3A_258 : memref<1x128xi32, #tpu.memory_space<vmem>> -> memref<128xi32, #tpu.memory_space<vmem>>
        %dma_start3A_260 = arith.constant 0 : i32
        %dma_start3A_261 = arith.constant 0 : i32
        %dma_start3A_262 = tpu.memref_slice %arg3[%dma_start3A_260, %dma_start3A_261] : memref<1000000x64xf32, #tpu.memory_space<hbm>> -> memref<1000000x64xf32, #tpu.memory_space<hbm>>
        tpu.enqueue_indirect_dma source(%dma_start3A_262 : memref<1000000x64xf32, #tpu.memory_space<hbm>>) target(%dma_start3A_256 : memref<128x64xf32, #tpu.memory_space<vmem>>) offsets(%dma_start3A_259 : memref<128xi32, #tpu.memory_space<vmem>>) semaphore(%arg9 : memref<!tpu.dma_semaphore, #tpu.memory_space<semaphore_mem>>)
        %mul3A_263 = arith.constant 2 : i32
        %mul3A_264 = arith.muli %add3A_247, %mul3A_263 : i32
        %add3A_265 = arith.constant 1 : i32
        %add3A_266 = arith.addi %mul3A_264, %add3A_265 : i32
        %dma_start3A_267 = arith.constant 1 : i32
        %dma_start3A_268 = arith.constant 128 : i32
        %dma_start3A_269 = arith.constant 0 : i32
        %dma_start3A_270 = tpu.memref_slice %arg6[%dma_start3A_267, %dma_start3A_268, %dma_start3A_269] : memref<2x256x64xf32, #tpu.memory_space<vmem>> -> memref<1x128x64xf32, #tpu.memory_space<vmem>>
        %dma_start3A_271 = tpu.memref_squeeze %dma_start3A_270 : memref<1x128x64xf32, #tpu.memory_space<vmem>> -> memref<128x64xf32, #tpu.memory_space<vmem>>
        %dma_start3A_272 = arith.constant 0 : i32
        %dma_start3A_273 = tpu.memref_slice %arg5[%add3A_266, %dma_start3A_272] : memref<200x128xi32, #tpu.memory_space<vmem>> -> memref<1x128xi32, #tpu.memory_space<vmem>>
        %dma_start3A_274 = tpu.memref_squeeze %dma_start3A_273 : memref<1x128xi32, #tpu.memory_space<vmem>> -> memref<128xi32, #tpu.memory_space<vmem>>
        %dma_start3A_275 = arith.constant 0 : i32
        %dma_start3A_276 = arith.constant 0 : i32
        %dma_start3A_277 = tpu.memref_slice %arg3[%dma_start3A_275, %dma_start3A_276] : memref<1000000x64xf32, #tpu.memory_space<hbm>> -> memref<1000000x64xf32, #tpu.memory_space<hbm>>
        tpu.enqueue_indirect_dma source(%dma_start3A_277 : memref<1000000x64xf32, #tpu.memory_space<hbm>>) target(%dma_start3A_271 : memref<128x64xf32, #tpu.memory_space<vmem>>) offsets(%dma_start3A_274 : memref<128xi32, #tpu.memory_space<vmem>>) semaphore(%arg9 : memref<!tpu.dma_semaphore, #tpu.memory_space<semaphore_mem>>)
      } else {
      }
    }
    %scan3A_76 = arith.constant 50 : i32
    %dma_wait3A = arith.constant 0 : i32
    %dma_wait3A_77 = arith.constant 0 : i32
    %dma_wait3A_78 = arith.constant 0 : i32
    %dma_wait3A_79 = arith.constant 0 : i32
    %dma_wait3A_80 = arith.constant 0 : i32
    %dma_wait3A_81 = tpu.memref_slice %arg7[%dma_wait3A, %dma_wait3A_77, %dma_wait3A_78, %dma_wait3A_79, %dma_wait3A_80] : memref<2x2x8x8x137xf32, #tpu.memory_space<vmem>> -> memref<1x2x8x8x128xf32, #tpu.memory_space<vmem>>
    %dma_wait3A_82 = tpu.memref_squeeze %dma_wait3A_81 : memref<1x2x8x8x128xf32, #tpu.memory_space<vmem>> -> memref<2x8x8x128xf32, #tpu.memory_space<vmem>>
    %dma_wait3A_83 = arith.constant 196 : i32
    %dma_wait3A_84 = arith.constant 0 : i32
    %dma_wait3A_85 = arith.constant 0 : i32
    %dma_wait3A_86 = arith.constant 0 : i32
    %dma_wait3A_87 = tpu.memref_slice %arg4[%dma_wait3A_83, %dma_wait3A_84, %add3A, %dma_wait3A_85, %dma_wait3A_86] : memref<200x8x32x8x128xf32, #tpu.memory_space<hbm>> -> memref<2x8x1x8x128xf32, #tpu.memory_space<hbm>>
    %dma_wait3A_88 = tpu.memref_squeeze %dma_wait3A_87 : memref<2x8x1x8x128xf32, #tpu.memory_space<hbm>> -> memref<2x8x8x128xf32, #tpu.memory_space<hbm>>
    %dma_wait3A_89 = arith.constant 196 : i32
    %dma_wait3A_90 = arith.constant 0 : i32
    %dma_wait3A_91 = arith.constant 0 : i32
    %dma_wait3A_92 = arith.constant 0 : i32
    %dma_wait3A_93 = tpu.memref_slice %arg4[%dma_wait3A_89, %dma_wait3A_90, %add3A, %dma_wait3A_91, %dma_wait3A_92] : memref<200x8x32x8x128xf32, #tpu.memory_space<hbm>> -> memref<2x8x1x8x128xf32, #tpu.memory_space<hbm>>
    %dma_wait3A_94 = tpu.memref_squeeze %dma_wait3A_93 : memref<2x8x1x8x128xf32, #tpu.memory_space<hbm>> -> memref<2x8x8x128xf32, #tpu.memory_space<hbm>>
    %dma_wait3A_95 = arith.constant 0 : i32
    %dma_wait3A_96 = arith.constant 0 : i32
    %dma_wait3A_97 = arith.constant 0 : i32
    %dma_wait3A_98 = arith.constant 0 : i32
    %dma_wait3A_99 = tpu.memref_slice %arg7[%dma_wait3A, %dma_wait3A_95, %dma_wait3A_96, %dma_wait3A_97, %dma_wait3A_98] : memref<2x2x8x8x137xf32, #tpu.memory_space<vmem>> -> memref<1x2x8x8x128xf32, #tpu.memory_space<vmem>>
    %dma_wait3A_100 = tpu.memref_squeeze %dma_wait3A_99 : memref<1x2x8x8x128xf32, #tpu.memory_space<vmem>> -> memref<2x8x8x128xf32, #tpu.memory_space<vmem>>
    tpu.wait_dma2 semaphore(%arg10 : memref<!tpu.dma_semaphore, #tpu.memory_space<semaphore_mem>>) src(%dma_wait3A_100 : memref<2x8x8x128xf32, #tpu.memory_space<vmem>>) dst(%dma_wait3A_94 : memref<2x8x8x128xf32, #tpu.memory_space<hbm>>)
    %dma_wait3A_101 = arith.constant 1 : i32
    %dma_wait3A_102 = arith.constant 0 : i32
    %dma_wait3A_103 = arith.constant 0 : i32
    %dma_wait3A_104 = arith.constant 0 : i32
    %dma_wait3A_105 = arith.constant 0 : i32
    %dma_wait3A_106 = tpu.memref_slice %arg7[%dma_wait3A_101, %dma_wait3A_102, %dma_wait3A_103, %dma_wait3A_104, %dma_wait3A_105] : memref<2x2x8x8x137xf32, #tpu.memory_space<vmem>> -> memref<1x2x8x8x128xf32, #tpu.memory_space<vmem>>
    %dma_wait3A_107 = tpu.memref_squeeze %dma_wait3A_106 : memref<1x2x8x8x128xf32, #tpu.memory_space<vmem>> -> memref<2x8x8x128xf32, #tpu.memory_space<vmem>>
    %dma_wait3A_108 = arith.constant 198 : i32
    %dma_wait3A_109 = arith.constant 0 : i32
    %dma_wait3A_110 = arith.constant 0 : i32
    %dma_wait3A_111 = arith.constant 0 : i32
    %dma_wait3A_112 = tpu.memref_slice %arg4[%dma_wait3A_108, %dma_wait3A_109, %add3A, %dma_wait3A_110, %dma_wait3A_111] : memref<200x8x32x8x128xf32, #tpu.memory_space<hbm>> -> memref<2x8x1x8x128xf32, #tpu.memory_space<hbm>>
    %dma_wait3A_113 = tpu.memref_squeeze %dma_wait3A_112 : memref<2x8x1x8x128xf32, #tpu.memory_space<hbm>> -> memref<2x8x8x128xf32, #tpu.memory_space<hbm>>
    %dma_wait3A_114 = arith.constant 198 : i32
    %dma_wait3A_115 = arith.constant 0 : i32
    %dma_wait3A_116 = arith.constant 0 : i32
    %dma_wait3A_117 = arith.constant 0 : i32
    %dma_wait3A_118 = tpu.memref_slice %arg4[%dma_wait3A_114, %dma_wait3A_115, %add3A, %dma_wait3A_116, %dma_wait3A_117] : memref<200x8x32x8x128xf32, #tpu.memory_space<hbm>> -> memref<2x8x1x8x128xf32, #tpu.memory_space<hbm>>
    %dma_wait3A_119 = tpu.memref_squeeze %dma_wait3A_118 : memref<2x8x1x8x128xf32, #tpu.memory_space<hbm>> -> memref<2x8x8x128xf32, #tpu.memory_space<hbm>>
    %dma_wait3A_120 = arith.constant 0 : i32
    %dma_wait3A_121 = arith.constant 0 : i32
    %dma_wait3A_122 = arith.constant 0 : i32
    %dma_wait3A_123 = arith.constant 0 : i32
    %dma_wait3A_124 = tpu.memref_slice %arg7[%dma_wait3A_101, %dma_wait3A_120, %dma_wait3A_121, %dma_wait3A_122, %dma_wait3A_123] : memref<2x2x8x8x137xf32, #tpu.memory_space<vmem>> -> memref<1x2x8x8x128xf32, #tpu.memory_space<vmem>>
    %dma_wait3A_125 = tpu.memref_squeeze %dma_wait3A_124 : memref<1x2x8x8x128xf32, #tpu.memory_space<vmem>> -> memref<2x8x8x128xf32, #tpu.memory_space<vmem>>
    tpu.wait_dma2 semaphore(%arg11 : memref<!tpu.dma_semaphore, #tpu.memory_space<semaphore_mem>>) src(%dma_wait3A_125 : memref<2x8x8x128xf32, #tpu.memory_space<vmem>>) dst(%dma_wait3A_119 : memref<2x8x8x128xf32, #tpu.memory_space<hbm>>)
    return
  }
}

</mosaic_0001>

<sc_bundles>
// kernel: kernel.3.cloned.1.call-start
scs
__scs_entry_jumppad:
0x0: {  	(pc) =	sbr.rel $0x88, $3  }
0x1: {  	(tag) =	ssettag $0x0;
	lr =	simm.s32 $0x1  }
0x2: {  	[smem:$0x3F9F] =	sst lr;
	_ =	strace $0xD0000000  }
0x3: {  	_ = 	snop  }
0x4: {  	_ = 	snop  }
0x5: {  	_ = 	snop  }
0x6: {  	_ = 	snop  }
0x7: {  	_ = 	snop  }
__scs_overlays_trampoline_lowered:
0x8: {  	[smem:$0x3FAE] =	sst s0  }
0x9: {  	[smem:$0x3FAF] =	sst s1  }
0xa: {  	[smem:$0x3FB0] =	sst s2  }
0xb: {  	[smem:$0x3FB1] =	sst s3  }
0xc: {  	[smem:$0x3FB2] =	sst s4  }
0xd: {  	[smem:$0x3FB3] =	sst s5  }
0xe: {  	[smem:$0x3FB4] =	sst s6  }
0xf: {  	[smem:$0x3FB5] =	sst s7  }
0x10: {  	[smem:$0x3FB6] =	sst s8  }
0x11: {  	[smem:$0x3FB7] =	sst s9;
	s0 =	simm.s32 @!p0 $0x0  }
0x12: {  	s1 =	sld [smem:$0x3F9D];
	s0 =	simm.s32 @p0 $0x1  }
0x13: {  	[smem:$0x3FB8] =	sst s0;
	s0 =	simm.s32 @!p1 $0x0  }
0x14: {  	s2 =	sld [smem:$0x3F9C];
	s0 =	simm.s32 @p1 $0x1  }
0x15: {  	[smem:$0x3FB9] =	sst s0;
	s0 =	simm.s32 @!p2 $0x0  }
0x16: {  	s3 =	sld [smem:$0x3FDB];
	s0 =	simm.s32 @p2 $0x1  }
0x17: {  	s4 =	simm.s32 $0x1BF5;
	[smem:$0x3FBB] =	sst s0  }
0x18: {  	s0 =	sld [smem:$0x3F9E];
	_ =	swait.ge [sflag:s4], $0x0  }
0x19: {  	s7 =	sld [smem:$0x3F9F]  }
0x1a: {  	s8 =	sadd.s32 $0xFFFFE003, lr  }
0x1b: {  	s9 =	sadd.s32 $0xFFFFFEF7, lr;
	s5 =	simm.s32 $0xFFFFFFFF;
	p2 =	slt.u32 s8, $0xFFFFF086  }
0x1c: {  	p1 =	slt.u32 s9, $0xF7A;
	s5 =	simm.s32 @!p2 $0x0  }
0x1d: {  	s5 =	simm.s32 @p1 $0x1;
	p0 =	seq.s32 s7, s2  }
0x1e: {  	s7 =	smul.u32 @!p0 $0xF7A, s2;
	p2 =	seq.s32 @!p0 s5, $0x0  }
0x1f: {  	s9 =	smul.u32 $0xF7A, s1;
	s8 =	simm.s32 @!p0 $0x1BF5;
	p2 =	por !p2, p0  }
0x20: {  	[sflag:s8] =	ssyncset.s32 @!p0 $0xFFFFF086;
	s6 =	sadd.s32 @!p0 s3, s7;
	s7 =	simm.s32 @!p0 $0x108  }
0x21: {  	s3 =	sadd.s32 s3, s9;
	s6 =	sadd.s32 @!p0 $0x88, s6;
	s7 =	simm.s32 @p2 $0x1082  }
0x22: {  	[simem:s7], [sflag:s8] =	dma.local @!p0 [hbm:s6], $0xF7A  }
0x23: {  	s9 =	sor.u32 $0xD0000000, s2;
	s6 =	simm.s32 $0x108;
	_ =	swait.ge @!p0 [sflag:s8], $0x0  }
0x24: {  	s3 =	sadd.s32 $0x88, s3;
	s6 =	simm.s32 @!p1 $0x1082;
	[sflag:s4] =	ssyncset.s32 $0xFFFFF086  }
0x25: {  	[simem:s6], [sflag:s4] =	dma.local [hbm:s3], $0xF7A  }
0x26: {  	[smem:$0x3F9F] =	sst s1;
	(tag) =	ssettag s2;
	_ =	strace s9  }
0x27: {  	s1 =	sld [smem:$0x3FAF]  }
0x28: {  	s2 =	sld [smem:$0x3FB0]  }
0x29: {  	s4 =	sld [smem:$0x3FB2]  }
0x2a: {  	p0 =	seq.s32 s5, $0x0;
	s5 =	sld [smem:$0x3FB3]  }
0x2b: {  	s6 =	sld [smem:$0x3FB4]  }
0x2c: {  	s7 =	sld [smem:$0x3FB5]  }
0x2d: {  	s3 =	simm.s32 $0x108;
	s8 =	sld [smem:$0x3FB6]  }
0x2e: {  	s3 =	simm.s32 @!p0 $0x1082;
	s9 =	sld [smem:$0x3FB7]  }
0x2f: {  	lr =	sadd.s32 s0, s3;
	s0 =	sld [smem:$0x3FAE]  }
0x30: {  	s3 =	sld [smem:$0x3FB1]  }
0x31: {  	[smem:$0x3FBA] =	sst s10  }
0x32: {  	s10 =	sld [smem:$0x3FB8];
	_ =	sdelay $0x3  }
0x33: {  	p0 =	seq.s32 s10, $0x1;
	s10 =	sld [smem:$0x3FBA];
	_ =	sdelay $0x3  }
0x34: {  	[smem:$0x3FBA] =	sst s10  }
0x35: {  	s10 =	sld [smem:$0x3FB9];
	_ =	sdelay $0x3  }
0x36: {  	p1 =	seq.s32 s10, $0x1;
	s10 =	sld [smem:$0x3FBA];
	_ =	sdelay $0x3  }
0x37: {  	[smem:$0x3FBA] =	sst s10  }
0x38: {  	s10 =	sld [smem:$0x3FBB]  }
0x39: {  	_ = 	snop;
	(pc) =	sbr.ind lr, $3  }
0x3a: {  	_ = 	snop  }
0x3b: {  	_ = 	snop  }
0x3c: {  	p2 =	seq.s32 s10, $0x1;
	s10 =	sld [smem:$0x3FBA]  }
0x3d: {  	_ =	shalt  }
0x3e: {  	_ =	shalt  }
0x3f: {  	_ =	shalt  }
0x40: {  	_ =	shalt  }
0x41: {  	_ =	shalt  }
0x42: {  	_ =	shalt  }
0x43: {  	_ =	shalt  }
0x44: {  	_ =	shalt  }
0x45: {  	_ =	shalt  }
0x46: {  	_ =	shalt  }
0x47: {  	_ =	shalt  }
0x48: {  	_ =	shalt  }
0x49: {  	_ =	shalt  }
0x4a: {  	_ =	shalt  }
0x4b: {  	_ =	shalt  }
0x4c: {  	_ =	shalt  }
0x4d: {  	_ =	shalt  }
0x4e: {  	_ =	shalt  }
0x4f: {  	_ =	shalt  }
0x50: {  	_ =	shalt  }
0x51: {  	_ =	shalt  }
0x52: {  	_ =	shalt  }
0x53: {  	_ =	shalt  }
0x54: {  	_ =	shalt  }
0x55: {  	_ =	shalt  }
0x56: {  	_ =	shalt  }
0x57: {  	_ =	shalt  }
0x58: {  	_ =	shalt  }
0x59: {  	_ =	shalt  }
0x5a: {  	_ =	shalt  }
0x5b: {  	_ =	shalt  }
0x5c: {  	_ =	shalt  }
0x5d: {  	_ =	shalt  }
0x5e: {  	_ =	shalt  }
0x5f: {  	_ =	shalt  }
0x60: {  	_ =	shalt  }
0x61: {  	_ =	shalt  }
0x62: {  	_ =	shalt  }
0x63: {  	_ =	shalt  }
0x64: {  	_ =	shalt  }
0x65: {  	_ =	shalt  }
0x66: {  	_ =	shalt  }
0x67: {  	_ =	shalt  }
0x68: {  	_ =	shalt  }
0x69: {  	_ =	shalt  }
0x6a: {  	_ =	shalt  }
0x6b: {  	_ =	shalt  }
0x6c: {  	_ =	shalt  }
0x6d: {  	_ =	shalt  }
0x6e: {  	_ =	shalt  }
0x6f: {  	_ =	shalt  }
0x70: {  	_ =	shalt  }
0x71: {  	_ =	shalt  }
0x72: {  	_ =	shalt  }
0x73: {  	_ =	shalt  }
0x74: {  	_ =	shalt  }
0x75: {  	_ =	shalt  }
0x76: {  	_ =	shalt  }
0x77: {  	_ =	shalt  }
0x78: {  	_ =	shalt  }
0x79: {  	_ =	shalt  }
0x7a: {  	_ =	shalt  }
0x7b: {  	_ =	shalt  }
0x7c: {  	_ =	shalt  }
0x7d: {  	_ =	shalt  }
0x7e: {  	_ =	shalt  }
0x7f: {  	_ =	shalt  }
0x80: {  	_ =	shalt  }
0x81: {  	_ =	shalt  }
0x82: {  	_ =	shalt  }
0x83: {  	_ =	shalt  }
0x84: {  	_ =	shalt  }
0x85: {  	_ =	shalt  }
0x86: {  	_ =	shalt  }
0x87: {  	_ =	shalt  }
.Lfunc_end0:
.L_simem_size_0:
called_computation_lowered:
.L_overlay_start_0:
0x88: {  	s2 =	sld [smem:$0x3FD9]  }
0x89: {  	s3 =	sld [smem:$0x3FFE];
	_ =	sdelay $0x1  }
0x8a: {  	s1 =	srdreg.scid  }
0x8b: {  	s0 =	sand.u32 $0x1, s1  }
0x8c: {  	s17 =	sshll.u32 s0, $0xA;
	s2 =	sadd.s32 s3, s2  }
0x8d: {  	s2 =	sadd.s32 s2, s17  }
0x8e: {  	[smem:$0x3FC6] =	sst s2  }
0x8f: {  	_ = 	snop  }
0x90: {  	s2 =	sld [smem:$0x3FD0];
	(tm) =	ssettm $0x1  }
0x91: {  	s18 =	sld [smem:$0x3FFB];
	_ =	sdelay $0x3  }
0x92: {  	_ =	strace s18  }
0x93: {  	s3 =	sld [smem:$0x3FFC];
	_ =	sdelay $0x3  }
0x94: {  	_ =	strace s3  }
0x95: {  	s3 =	sld [smem:$0x3FFD];
	_ =	sdelay $0x3  }
0x96: {  	_ =	strace s3  }
0x97: {  	_ =	strace $0x8FFFFFFF  }
0x98: {  	s19 =	sld [smem:$0x3FDB];
	_ =	sdelay $0x1  }
0x99: {  	s4 =	simm.s32 $_scs_section_size  }
0x9a: {  	s5 =	simm.s32 $_size__tile_overlayer_lowered;
	s6 =	simm.s32 $_tile_overlayer_lowered  }
0x9b: {  	s22 =	simm.s32 $0x1BFF;
	s21 =	sshll.u32 s6, $0x1;
	s3 =	sadd.s32 s4, s19  }
0x9c: {  	s7 =	simm.s32 $0x0;
	s20 =	sshll.u32 s5, $0x1;
	s5 =	sadd.s32 s21, s3  }
0x9d: {  	[timem:s7], [sflag:s22] =	dma.local [hbm:s5], s20  }
0x9e: {  	_ =	swait.ge [sflag:s22], s20  }
0x9f: {  	s4 =	ssub.s32 $0x0, s20;
	[sflag:s22] =	ssyncset.done $0x0  }
0xa0: {  	[sflag:s22] =	ssyncadd.s32 s4;
	_ =	sdelay $0x1  }
0xa1: {  	s23 =	simm.s32 $0x1B8B  }
0xa2: {  	_ =	swait.ge [sflag:s23], $0x1  }
0xa3: {  	[sflag:s23] =	ssyncset.done $0x0  }
0xa4: {  	s25 =	simm.s32 $0x1B8E;
	s24 =	sld [smem:$0x3FFE];
	[sflag:s23] =	ssyncadd.s32 $0xFFFFFFFF  }
0xa5: {  	s26 =	simm.s32 $execute0_lowered;
	[smem:$0x3FD2] =	sst s25  }
0xa6: {  	s5 =	sshll.u32 s26, $0x1;
	_ =	strace $0x80000046;
	[dreg:$0x1] =	wrdreg $0xFFFFFFFF  }
0xa7: {  	s28 =	simm.s32 $_size_execute0_lowered;
	s3 =	sadd.s32 s3, s5;
	[dreg:$0x0] =	wrdreg $0x0  }
0xa8: {  	s5 =	sshll.u32 s28, $0x1;
	[dreg:$0x2] =	wrdreg s3  }
0xa9: {  	[dreg:$0x3] =	wrdreg s5  }
0xaa: {  	[dreg:$0x4] =	wrdreg $0xC0  }
0xab: {  	_ =	task [dreg:s7], $0x5FFFF  }
0xac: {  	[dreg:$0x1] =	wrdreg $0xFFFFFFFF  }
0xad: {  	[dreg:$0x0] =	wrdreg $0x60  }
0xae: {  	[dreg:$0x2] =	wrdreg s24  }
0xaf: {  	[dreg:$0x3] =	wrdreg s2  }
0xb0: {  	[dreg:$0x4] =	wrdreg $0x9  }
0xb1: {  	_ =	task.clear_ibuf [dreg:s7], $0x5FFFF;
	_ =	strace $0x90000046  }
0xb2: {  	s29 =	simm.s32 $0x9;
	_ =	strace $0x80000048  }
0xb3: {  	_ =	swait.ge [sflag:s29], $0x1  }
0xb4: {  	[sflag:s29] =	ssyncadd.s32 $0xFFFFFFFF  }
0xb5: {  	_ =	strace $0x90000048  }
0xb6: {  	_ =	sfence  }
0xb7: {  	s30 =	sld [smem:$0x0];
	_ =	sdelay $0x2  }
0xb8: {  	s31 =	sshll.u32 s1, $0xD;
	s1 =	sshrl.u32 s1, $0x2  }
0xb9: {  	s3 =	sand.u32 $0x4000, s31;
	s1 =	sadd.s32 s1, s30  }
0xba: {  	s0 =	sor.u32 s3, s0;
	s1 =	sshll.u32 s1, $0x11  }
0xbb: {  	s0 =	sor.u32 s1, s0  }
0xbc: {  	s0 =	sadd.s32 $0x8F2B, s0  }
0xbd: {  	[sflag:s0] =	ssyncadd.remote.s32 $0x1  }
0xbe: {  	_ =	sfence.sel $0xFFFF  }
0xbf: {  	[dreg:$0x0] =	wrdreg $0xFFFFFFFF;
	(pc) =	sbr.abs _section_cstart, $3  }
0xc0: {  	[dreg:$0x1] =	wrdreg $0xFFFFFFFF  }
0xc1: {  	_ =	task.clear_ibuf [dreg:s7], $0x2FFFF;
	_ =	strace $0x9FFFFFFF  }
0xc2: {  	(tm) =	ssettm $0x7FFFFFFF  }
0xc3: {  	_ =	shalt  }
tec
execute0_lowered:
.L_overlay_start_1:
0x0: {  	(tag) =	ssettag $0x1  }
0x1: {  	v0 =	vlaneseq.u32  }
0x2: {  	s3 =	stileid.u32;
	v6 =	vmul.u32 $0x90, v0  }
0x3: {  	s0 =	rddreg [dreg:$0x0];
	s4 =	sshll.u32 s3, $0x1;
	s3 =	simm.s32 $0x0  }
0x4: {  	[smem:$0x7FF] =	sst s3;
	v11 =	vadd.s32 $0x1202, v6  }
0x5: {  	s2 =	rddreg [dreg:$0x1];
	_ =	strace $0x80000047;
	v15 =	vadd.s32 $0x1203, v6;
	[tilespmem:$0x1FF00] =	vst v11  }
0x6: {  	v19 =	vadd.s32 $0x1204, v6;
	[tilespmem:$0x1FF10] =	vst v15  }
0x7: {  	v20 =	vadd.s32 $0x1B04, v6;
	[tilespmem:$0x1FF20] =	vst v19  }
0x8: {  	v23 =	vadd.s32 $0x1205, v6;
	[tilespmem:$0x1FF30] =	vst v20  }
0x9: {  	v24 =	vadd.s32 $0x1B05, v6;
	[tilespmem:$0x1FF40] =	vst v23  }
0xa: {  	v27 =	vadd.s32 $0x1206, v6;
	[tilespmem:$0x1FF50] =	vst v24  }
0xb: {  	s1 =	srdreg.scid;
	s9 =	simm.s32 $0x5;
	v28 =	vadd.s32 $0x1B06, v6;
	[tilespmem:$0x1FF60] =	vst v27  }
0xc: {  	v1 =	vimm.s32 $0x0;
	vm0 =	vcmask $0x300;
	s10 =	simm.s32 $0x80;
	s11 =	simm.s32 $0x6400;
	s12 =	simm.s32 $0x8400;
	v32 =	vadd.s32 $0x1B07, v6;
	[tilespmem:$0x1FF70] =	vst v28  }
0xd: {  	s14 =	simm.s32 $0xA400;
	s16 =	simm.s32 $0xC400;
	s17 =	simm.s32 $0x1;
	v1 =	vsel vm0, $0x3, v1;
	v59 =	vadd.s32 $0x1B00, v6;
	[tilespmem:$0x1FF80] =	vst v32  }
0xe: {  	s18 =	simm.s32 $0xE400;
	s19 =	simm.s32 $0x10800;
	s20 =	simm.s32 $0x2;
	v7 =	vadd.s32 $0x900, v6;
	v62 =	vadd.s32 $0x1200, v6;
	v8 =	vadd.s32 $0x1B01, v6;
	[tilespmem:$0x1FF90] =	vst v59  }
0xf: {  	s21 =	simm.s32 $0x4;
	s22 =	simm.s32 $0x12C00;
	s1 =	sand.u32 $0x1, s1;
	v58 =	vor.u32 $0x1, v6;
	v60 =	vadd.s32 $0x901, v6;
	v12 =	vadd.s32 $0x1B02, v6;
	[tilespmem:$0x1FFA0] =	vst v8  }
.Ltmp0:
0x10: {  	s23 =	simm.s32 $0x15000;
	s6 =	sor.u32 s1, s4;
	v63 =	vadd.s32 $0x1201, v6;
	v9 =	vor.u32 $0x2, v6;
	v16 =	vadd.s32 $0x1B03, v6;
	[tilespmem:$0x1FFB0] =	vst v12;
	(pc) =	sbr.rel .LBB2_1-.Ltmp0, $4  }
0x11: {  	s24 =	simm.s32 $0x3;
	s1 =	ssub.s32 $0x2, s1;
	s4 =	smul.u32 $0xC80, s6;
	v10 =	vadd.s32 $0x902, v6;
	v13 =	vor.u32 $0x3, v6;
	v14 =	vadd.s32 $0x903, v6;
	[tilespmem:$0x1FFC0] =	vst v16  }
0x12: {  	s25 =	simm.s32 $0x0;
	s5 =	sshrl.u32 s1, $0x1;
	s6 =	sshll.u32 s6, $0x7;
	v17 =	vor.u32 $0x4, v6;
	v18 =	vadd.s32 $0x904, v6;
	v21 =	vor.u32 $0x5, v6;
	[tilespmem:$0x1FFD0] =	vst v7  }
0x13: {  	v22 =	vadd.s32 $0x905, v6;
	v25 =	vor.u32 $0x6, v6;
	v26 =	vadd.s32 $0x906, v6;
	s31 =	ssub.s32 s1, s5;
	[tilespmem:$0x1FFE0] =	vst v60;
	s7 =	sadd.s32 s4, s0;
	s4 =	sadd.s32 $0xF42A00, s0  }
0x14: {  	v29 =	vor.u32 $0x7, v6;
	v30 =	vadd.s32 $0x907, v6;
	v31 =	vadd.s32 $0x1207, v6;
	[tilespmem:$0x1FFF0] =	vst v62;
	s8 =	smax.u32 s31, $0x1;
	s5 =	sadd.s32 $0x600, s7;
	s7 =	sadd.s32 $0x10000, s2  }
.LBB2_20:
0x15: {  	s25 =	sadd.s32 $0x1, s25  }
0x16: {  	_ =	swait.ge [sflag:s24], $0x4000;
	p0 =	sne.s32 s25, s8  }
.Ltmp1:
0x17: {  	[sflag:s24] =	ssyncset.done $0x0;
	(pc) =	sbr.rel @!p0 .LBB2_21-.Ltmp1, $4  }
0x18: {  	[sflag:s24] =	ssyncadd.s32 $0xFFFFC000  }
0x19: {  	_ =	swait.ge [sflag:s21], $0x4000  }
0x1a: {  	[sflag:s21] =	ssyncset.done $0x0  }
0x1b: {  	[sflag:s21] =	ssyncadd.s32 $0xFFFFC000  }
.LBB2_1:
0x1c: {  	[tilespmem:s3], [sflag:$0x5] =	stream.linear.gather [hbm4b:s5+s3], $0x6400, $0x38;
	[tilespmem:$0x17400] =	vst v63  }
0x1d: {  	_ =	swait.ge [sflag:s9], $0x6400  }
0x1e: {  	[sflag:s9] =	ssyncset.done $0x0  }
0x1f: {  	[sflag:s9] =	ssyncadd.s32 $0xFFFF9C00  }
0x20: {  	[tilespmem:s11], [sflag:$0x1] =	stream.indirect.gather [hbm4b:s4+s10], $0x40, s3, s10, $0xb8;
	[tilespmem:$0x17400] =	vst v63  }
0x21: {  	_ = 	snop  }
0x22: {  	[tilespmem:s12], [sflag:$0x1] =	stream.indirect.gather [hbm4b:s4+s10], $0x40, s10, s10, $0xb8;
	[tilespmem:$0x17400] =	vst v63  }
0x23: {  	s0 =	simm.s32 $0x100  }
0x24: {  	[tilespmem:s14], [sflag:$0x2] =	stream.indirect.gather [hbm4b:s4+s10], $0x40, s0, s10, $0xb8;
	[tilespmem:$0x17400] =	vst v63  }
0x25: {  	s31 =	simm.s32 $0x180;
	s26 =	simm.s32 $0x0  }
0x26: {  	v3 =	vmov v20;
	v20 =	vmov v24;
	[tilespmem:s16], [sflag:$0x2] =	stream.indirect.gather [hbm4b:s4+s10], $0x40, s31, s10, $0xb8;
	[tilespmem:$0x17400] =	vst v63  }
.LBB2_2:
0x27: {  	_ =	swait.ge [sflag:s17], $0x4000  }
0x28: {  	s0 =	simm.s32 $0x0;
	p0 =	seq.s32 s26, $0x0;
	s29 =	simm.s32 $0x1  }
0x29: {  	s1 =	simm.s32 $0x2;
	s13 =	simm.s32 $0x3;
	s15 =	simm.s32 $0x5;
	v33 =	vmov s0;
	v34 =	vmov s29  }
0x2a: {  	[sflag:s17] =	ssyncset.done $0x0;
	v35 =	vmov s1;
	v36 =	vmov s13;
	s13 =	simm.s32 $0x4;
	s29 =	simm.s32 $0x6;
	v38 =	vmov s15  }
0x2b: {  	s28 =	simm.s32 @!p0 $0x3;
	s1 =	simm.s32 $0x7;
	v33 =	vshrl.u32 v33, $0x3;
	[sflag:s17] =	ssyncadd.s32 $0xFFFFC000;
	v37 =	vmov s13;
	v39 =	vmov s29  }
0x2c: {  	v34 =	vshrl.u32 v34, $0x3;
	v40 =	vmov s1;
	v35 =	vshrl.u32 v35, $0x3;
	_ =	swait.ge @!p0 [sflag:s28], $0x4000  }
0x2d: {  	v36 =	vshrl.u32 v36, $0x3;
	v38 =	vshrl.u32 v38, $0x3;
	v40 =	vshrl.u32 v40, $0x3;
	[sflag:s28] =	ssyncset.done @!p0 $0x0  }
0x2e: {  	s30 =	simm.s32 $0x6500;
	v33 =	vshll.u32 v33, v1;
	v37 =	vshrl.u32 v37, $0x3;
	v40 =	vshll.u32 v40, v1;
	[sflag:s28] =	ssyncadd.s32 @!p0 $0xFFFFC000  }
0x2f: {  	v42 =	vshrl.u32 v39, $0x3;
	v34 =	vshll.u32 v34, v1;
	v0 =	vbroadcast v40, $0x0;
	v57 =	vld [tilespmem:s30+$0xC0]  }
0x30: {  	v35 =	vshll.u32 v35, v1;
	v36 =	vshll.u32 v36, v1;
	v4 =	vbroadcast v33, $0x0;
	v43 =	vld [tilespmem:s30+$0xFFFFFF00]  }
0x31: {  	v59 =	vshll.u32 v38, v1;
	v8 =	vbroadcast v34, $0x0;
	v45 =	vld [tilespmem:s30+$0xFFFFFF40];
	v46 =	vadd.s32 v29, v0  }
0x32: {  	v44 =	vshll.u32 v37, v1;
	v37 =	vbroadcast v35, $0x0;
	v61 =	vadd.s32 v6, v4;
	v47 =	vld [tilespmem:s30+$0xFFFFFF80]  }
0x33: {  	v42 =	vshll.u32 v42, v1;
	v36 =	vbroadcast v36, $0x0;
	v48 =	vadd.s32 v58, v8;
	v49 =	vld [tilespmem:s30+$0xFFFFFFC0]  }
0x34: {  	v35 =	vbroadcast v44, $0x0;
	v50 =	vadd.s32 v9, v37;
	v51 =	vld [tilespmem:s30+$0x0];
	v57 =	vmul.f32 $8.000000000e+00, v57  }
0x35: {  	v33 =	vbroadcast v59, $0x0;
	v52 =	vadd.s32 v13, v36;
	v53 =	vld [tilespmem:s30+$0x40];
	v43 =	vmul.f32 $8.000000000e+00, v43  }
0x36: {  	v34 =	vbroadcast v42, $0x0;
	v55 =	vld [tilespmem:s30+$0x80];
	v54 =	vadd.s32 v17, v35;
	v45 =	vmul.f32 $8.000000000e+00, v45;
	[tilespmem:v46+s18+$0x0] =	vst.idx.msk $0xffff, v57  }
0x37: {  	[tilespmem:v61+s18+$0x0] =	vst.idx.msk $0xffff, v43;
	v61 =	vmul.f32 $8.000000000e+00, v47;
	v43 =	vadd.s32 v21, v33;
	v44 =	vld [tilespmem:s30+$0xD0]  }
0x38: {  	v40 =	vmul.f32 $8.000000000e+00, v49;
	[tilespmem:v48+s18+$0x0] =	vst.idx.msk $0xffff, v45;
	v47 =	vadd.s32 v25, v34;
	v46 =	vld [tilespmem:s30+$0xFFFFFF10]  }
0x39: {  	v41 =	vmul.f32 $8.000000000e+00, v51;
	v49 =	vld [tilespmem:s30+$0xFFFFFF50];
	[tilespmem:v50+s18+$0x0] =	vst.idx.msk $0xffff, v61;
	v50 =	vadd.s32 v30, v0  }
0x3a: {  	s13 =	simm.s32 $0x8;
	v56 =	vadd.s32 v7, v4;
	[tilespmem:v52+s18+$0x0] =	vst.idx.msk $0xffff, v40;
	v61 =	vmul.f32 $8.000000000e+00, v53;
	v57 =	vld [tilespmem:s30+$0xFFFFFF90]  }
0x3b: {  	v5 =	vmovc v58;
	v59 =	vmov s13;
	v38 =	vmul.f32 $8.000000000e+00, v55;
	[tilespmem:v54+s18+$0x0] =	vst.idx.msk $0xffff, v41;
	v58 =	vld [tilespmem:s30+$0xFFFFFFD0];
	v53 =	vadd.s32 v60, v8  }
0x3c: {  	v42 =	vshrl.u32 v59, $0x3;
	v55 =	vadd.s32 v10, v37;
	v59 =	vld [tilespmem:s30+$0x10];
	[tilespmem:v43+s18+$0x0] =	vst.idx.msk $0xffff, v61;
	v43 =	vmul.f32 $8.000000000e+00, v44  }
0x3d: {  	[tilespmem:v47+s18+$0x0] =	vst.idx.msk $0xffff, v38;
	v45 =	vmul.f32 $8.000000000e+00, v46;
	v46 =	vadd.s32 v14, v36;
	v60 =	vld [tilespmem:s30+$0x50]  }
0x3e: {  	v47 =	vmul.f32 $8.000000000e+00, v49;
	v49 =	vadd.s32 v18, v35;
	v61 =	vld [tilespmem:s30+$0x90];
	[tilespmem:v50+s18+$0x0] =	vst.idx.msk $0xffff, v43  }
0x3f: {  	[tilespmem:v56+s18+$0x0] =	vst.idx.msk $0xffff, v45;
	v39 =	vmul.f32 $8.000000000e+00, v57;
	v45 =	vadd.s32 v22, v33;
	v50 =	vld [tilespmem:s30+$0xE0]  }
0x40: {  	s29 =	simm.s32 $0xA;
	[tilespmem:v53+s18+$0x0] =	vst.idx.msk $0xffff, v47;
	v47 =	vmul.f32 $8.000000000e+00, v58;
	v53 =	vadd.s32 v26, v34;
	v56 =	vld [tilespmem:s30+$0xFFFFFF20]  }
0x41: {  	s15 =	simm.s32 $0x9;
	v51 =	vmov s29;
	v57 =	vld [tilespmem:s30+$0xFFFFFF60];
	[tilespmem:v55+s18+$0x0] =	vst.idx.msk $0xffff, v39;
	v39 =	vmul.f32 $8.000000000e+00, v59;
	v55 =	vadd.s32 v31, v0  }
0x42: {  	v48 =	vmov s15;
	s15 =	simm.s32 $0xD;
	v58 =	vadd.s32 v62, v4;
	v59 =	vld [tilespmem:s30+$0xFFFFFFA0];
	[tilespmem:v46+s18+$0x0] =	vst.idx.msk $0xffff, v47;
	v46 =	vmul.f32 $8.000000000e+00, v60  }
0x43: {  	v44 =	vmov s15;
	v60 =	vadd.s32 v63, v8;
	v47 =	vmul.f32 $8.000000000e+00, v61;
	[tilespmem:v49+s18+$0x0] =	vst.idx.msk $0xffff, v39  }
0x44: {  	s29 =	simm.s32 $0xE;
	v41 =	vshrl.u32 v44, $0x3;
	v49 =	vadd.s32 v11, v37;
	[tilespmem:v45+s18+$0x0] =	vst.idx.msk $0xffff, v46;
	v44 =	vmul.f32 $8.000000000e+00, v50  }
0x45: {  	v38 =	vmov s29;
	v43 =	vshll.u32 v42, v1;
	[tilespmem:v53+s18+$0x0] =	vst.idx.msk $0xffff, v47;
	v50 =	vmul.f32 $8.000000000e+00, v56  }
0x46: {  	v42 =	vshrl.u32 v38, $0x3;
	v38 =	vbroadcast v43, $0x0;
	v43 =	vmul.f32 $8.000000000e+00, v57;
	[tilespmem:v55+s18+$0x0] =	vst.idx.msk $0xffff, v44  }
0x47: {  	v62 =	vld [tilespmem:s30+$0xFFFFFFE0];
	[tilespmem:v58+s18+$0x0] =	vst.idx.msk $0xffff, v50;
	v46 =	vmul.f32 $8.000000000e+00, v59  }
0x48: {  	[tilespmem:v60+s18+$0x0] =	vst.idx.msk $0xffff, v43  }
0x49: {  	v16 =	vmov v63;
	v39 =	vadd.s32 v15, v36;
	v63 =	vld [tilespmem:s30+$0x20];
	[tilespmem:v49+s18+$0x0] =	vst.idx.msk $0xffff, v46  }
0x4a: {  	v53 =	vadd.s32 v32, v0;
	v0 =	vld [tilespmem:$0x1FF90]  }
0x4b: {  	v40 =	vld [tilespmem:s30+$0x60]  }
0x4c: {  	v61 =	vld [tilespmem:s30+$0xA0];
	v62 =	vmul.f32 $8.000000000e+00, v62  }
0x4d: {  	s1 =	simm.s32 $0xB;
	v57 =	vadd.s32 v19, v35;
	v56 =	vld [tilespmem:s30+$0xF0]  }
0x4e: {  	v52 =	vmov s1;
	v48 =	vshrl.u32 v48, $0x3;
	v50 =	vld [tilespmem:s30+$0xFFFFFF30];
	[tilespmem:v39+s18+$0x0] =	vst.idx.msk $0xffff, v62  }
0x4f: {  	s13 =	simm.s32 $0xC;
	v52 =	vshrl.u32 v52, $0x3;
	v47 =	vshll.u32 v48, v1;
	v48 =	vadd.s32 v0, v4;
	v0 =	vld [tilespmem:$0x1FFA0]  }
0x50: {  	v54 =	vmov s13;
	v45 =	vshll.u32 v52, v1;
	v52 =	vld [tilespmem:s30+$0xFFFFFF70];
	v63 =	vmul.f32 $8.000000000e+00, v63  }
0x51: {  	v54 =	vshrl.u32 v54, $0x3;
	v49 =	vld [tilespmem:s30+$0xFFFFFFB0]  }
0x52: {  	v51 =	vshrl.u32 v51, $0x3;
	v46 =	vshll.u32 v54, v1;
	v54 =	vld [tilespmem:s30+$0xFFFFFFF0];
	[tilespmem:v57+s18+$0x0] =	vst.idx.msk $0xffff, v63  }
0x53: {  	v28 =	vmov v15;
	v55 =	vadd.s32 v23, v33;
	v44 =	vshll.u32 v51, v1;
	v24 =	vld [tilespmem:$0x1FFB0]  }
0x54: {  	v15 =	vmovc v3;
	v51 =	vadd.s32 v27, v34;
	v43 =	vshll.u32 v41, v1;
	v41 =	vadd.s32 v0, v8;
	v8 =	vld [tilespmem:$0x1FFC0]  }
0x55: {  	s31 =	simm.s32 $0x10;
	s28 =	sshll.u32 s26, $0xB;
	s1 =	simm.s32 $0xF;
	v39 =	vmul.f32 $8.000000000e+00, v40;
	v40 =	vmul.f32 $8.000000000e+00, v61;
	v4 =	vmovc v32;
	v32 =	vmovc v23;
	v23 =	vld [tilespmem:$0x1FF70];
	v12 =	vmov v0  }
.LBB2_3:
0x56: {  	v58 =	vld [tilespmem:s30+$0x30]  }
0x57: {  	v0 =	vld [tilespmem:$0x1FFD0]  }
0x58: {  	v57 =	vmov s1;
	v37 =	vadd.s32 v24, v37;
	v7 =	vld [tilespmem:$0x1FF90];
	[tilespmem:v55+s18+$0x0] =	vst.idx.msk $0xffff, v39;
	v60 =	vmul.f32 $8.000000000e+00, v56  }
0x59: {  	v36 =	vadd.s32 v8, v36;
	v35 =	vadd.s32 v15, v35;
	[tilespmem:v51+s18+$0x0] =	vst.idx.msk $0xffff, v40;
	v62 =	vld [tilespmem:s30+$0x70];
	v50 =	vmul.f32 $8.000000000e+00, v50  }
0x5a: {  	v33 =	vadd.s32 v20, v33;
	v61 =	vshrl.u32 v57, $0x3;
	v63 =	vmul.f32 $8.000000000e+00, v52;
	v52 =	vld [tilespmem:s30+$0xB0];
	s30 =	sadd.s32 $0x200, s30;
	[tilespmem:v53+s18+$0x0] =	vst.idx.msk $0xffff, v60  }
0x5b: {  	v39 =	vmov v38;
	v38 =	vshll.u32 v61, v1;
	v55 =	vmul.f32 $8.000000000e+00, v49;
	[tilespmem:v48+s18+$0x0] =	vst.idx.msk $0xffff, v50;
	v53 =	vld [tilespmem:s30+$0xC0]  }
0x5c: {  	v34 =	vadd.s32 v23, v34;
	v40 =	vbroadcast v38, $0x0;
	v57 =	vmul.f32 $8.000000000e+00, v54;
	[tilespmem:v41+s18+$0x0] =	vst.idx.msk $0xffff, v63;
	v48 =	vld [tilespmem:s30+$0xFFFFFF00]  }
0x5d: {  	[tilespmem:v37+s18+$0x0] =	vst.idx.msk $0xffff, v55;
	v60 =	vmul.f32 $8.000000000e+00, v58;
	v59 =	vld [tilespmem:s30+$0xFFFFFF40]  }
0x5e: {  	v41 =	vbroadcast v47, $0x0;
	v47 =	vadd.s32 v29, v40;
	[tilespmem:v36+s18+$0x0] =	vst.idx.msk $0xffff, v57;
	v61 =	vld [tilespmem:s30+$0xFFFFFF80];
	v62 =	vmul.f32 $8.000000000e+00, v62  }
0x5f: {  	v51 =	vadd.s32 v6, v39;
	v37 =	vbroadcast v44, $0x0;
	v63 =	vld [tilespmem:s30+$0xFFFFFFC0];
	[tilespmem:v35+s18+$0x0] =	vst.idx.msk $0xffff, v60;
	v56 =	vmul.f32 $8.000000000e+00, v52  }
0x60: {  	v36 =	vbroadcast v45, $0x0;
	v49 =	vadd.s32 v5, v41;
	v35 =	vbroadcast v46, $0x0;
	v52 =	vld [tilespmem:s30+$0x0];
	[tilespmem:v33+s18+$0x0] =	vst.idx.msk $0xffff, v62  }
0x61: {  	v45 =	vadd.s32 v9, v37;
	[tilespmem:v34+s18+$0x0] =	vst.idx.msk $0xffff, v56;
	v56 =	vadd.s32 v0, v39;
	v0 =	vld [tilespmem:$0x1FFE0];
	v57 =	vmul.f32 $8.000000000e+00, v53  }
0x62: {  	v33 =	vbroadcast v43, $0x0;
	v43 =	vadd.s32 v17, v35;
	v58 =	vmul.f32 $8.000000000e+00, v48;
	v53 =	vld [tilespmem:s30+$0x40]  }
0x63: {  	v42 =	vshll.u32 v42, v1;
	v48 =	vadd.s32 v13, v36;
	v59 =	vmul.f32 $8.000000000e+00, v59;
	v50 =	vld [tilespmem:s30+$0x80];
	[tilespmem:v47+s18+$0x0] =	vst.idx.msk $0xffff, v57  }
0x64: {  	v60 =	vmov s31;
	v34 =	vbroadcast v42, $0x0;
	v61 =	vmul.f32 $8.000000000e+00, v61;
	[tilespmem:v51+s18+$0x0] =	vst.idx.msk $0xffff, v58;
	v47 =	vld [tilespmem:s30+$0xD0]  }
0x65: {  	v62 =	vadd.s32 v21, v33;
	v42 =	vshrl.u32 v60, $0x3;
	[tilespmem:v49+s18+$0x0] =	vst.idx.msk $0xffff, v59;
	v60 =	vmul.f32 $8.000000000e+00, v52;
	v51 =	vld [tilespmem:s30+$0xFFFFFF10]  }
0x66: {  	s0 =	sadd.s32 $0x1, s31;
	v63 =	vmul.f32 $8.000000000e+00, v63;
	v49 =	vadd.s32 v25, v34;
	[tilespmem:v45+s18+$0x0] =	vst.idx.msk $0xffff, v61;
	v55 =	vld [tilespmem:s30+$0xFFFFFF50]  }
0x67: {  	v54 =	vmov s0;
	v45 =	vadd.s32 v30, v40;
	v57 =	vld [tilespmem:s30+$0xFFFFFF90];
	[tilespmem:v43+s18+$0x0] =	vst.idx.msk $0xffff, v60  }
0x68: {  	s1 =	sadd.s32 $0x4, s31;
	v54 =	vshrl.u32 v54, $0x3;
	[tilespmem:v48+s18+$0x0] =	vst.idx.msk $0xffff, v63;
	v61 =	vmul.f32 $8.000000000e+00, v53;
	v59 =	vld [tilespmem:s30+$0x10]  }
0x69: {  	s13 =	sadd.s32 $0x2, s31;
	v44 =	vmov s1;
	v53 =	vadd.s32 v0, v41;
	v43 =	vmul.f32 $8.000000000e+00, v50;
	v58 =	vld [tilespmem:s30+$0xFFFFFFD0]  }
0x6a: {  	v52 =	vmov s13;
	s13 =	sadd.s32 $0x5, s31;
	v50 =	vadd.s32 v10, v37;
	v0 =	vld [tilespmem:$0x1FFF0];
	[tilespmem:v62+s18+$0x0] =	vst.idx.msk $0xffff, v61;
	v38 =	vmul.f32 $8.000000000e+00, v47  }
0x6b: {  	v46 =	vmov s13;
	[tilespmem:v49+s18+$0x0] =	vst.idx.msk $0xffff, v43;
	v47 =	vmul.f32 $8.000000000e+00, v51;
	v51 =	vadd.s32 v14, v36;
	v60 =	vld [tilespmem:s30+$0x50]  }
0x6c: {  	s15 =	sadd.s32 $0x3, s31;
	v52 =	vshrl.u32 v52, $0x3;
	v49 =	vmul.f32 $8.000000000e+00, v55;
	v55 =	vadd.s32 v18, v35;
	v61 =	vld [tilespmem:s30+$0x90];
	[tilespmem:v45+s18+$0x0] =	vst.idx.msk $0xffff, v38  }
0x6d: {  	v48 =	vmov s15;
	v62 =	vmul.f32 $8.000000000e+00, v57;
	[tilespmem:v56+s18+$0x0] =	vst.idx.msk $0xffff, v47;
	v45 =	vadd.s32 v22, v33;
	v47 =	vld [tilespmem:s30+$0xE0]  }
0x6e: {  	v48 =	vshrl.u32 v48, $0x3;
	[tilespmem:v53+s18+$0x0] =	vst.idx.msk $0xffff, v49;
	v53 =	vadd.s32 v26, v34;
	v56 =	vld [tilespmem:s30+$0xFFFFFF20];
	v63 =	vmul.f32 $8.000000000e+00, v58  }
0x6f: {  	s15 =	sadd.s32 $0x6, s31;
	v38 =	vshll.u32 v42, v1;
	[tilespmem:v50+s18+$0x0] =	vst.idx.msk $0xffff, v62;
	v42 =	vmul.f32 $8.000000000e+00, v59;
	v50 =	vadd.s32 v31, v40;
	v57 =	vld [tilespmem:s30+$0xFFFFFF60]  }
0x70: {  	v43 =	vmov s15;
	v58 =	vadd.s32 v0, v39;
	v59 =	vld [tilespmem:s30+$0xFFFFFFA0];
	[tilespmem:v51+s18+$0x0] =	vst.idx.msk $0xffff, v63;
	v49 =	vmul.f32 $8.000000000e+00, v60  }
0x71: {  	v60 =	vshrl.u32 v44, $0x3;
	v51 =	vadd.s32 v16, v41;
	[tilespmem:v55+s18+$0x0] =	vst.idx.msk $0xffff, v42;
	v44 =	vmul.f32 $8.000000000e+00, v61;
	v62 =	vld [tilespmem:s30+$0xFFFFFFE0]  }
0x72: {  	v61 =	vshrl.u32 v46, $0x3;
	v46 =	vadd.s32 v11, v37;
	v63 =	vld [tilespmem:s30+$0x20];
	[tilespmem:v45+s18+$0x0] =	vst.idx.msk $0xffff, v49;
	v45 =	vmul.f32 $8.000000000e+00, v47  }
0x73: {  	v0 =	vadd.s32 v28, v36;
	v42 =	vshrl.u32 v43, $0x3;
	[tilespmem:v53+s18+$0x0] =	vst.idx.msk $0xffff, v44;
	v55 =	vmul.f32 $8.000000000e+00, v56;
	v2 =	vld [tilespmem:s30+$0x60]  }
0x74: {  	p1 =	slt.u32 s31, $0x78;
	v41 =	vadd.s32 v12, v41;
	v49 =	vmul.f32 $8.000000000e+00, v57;
	v57 =	vadd.s32 v19, v35;
	v3 =	vld [tilespmem:s30+$0xA0];
	[tilespmem:v50+s18+$0x0] =	vst.idx.msk $0xffff, v45  }
.Ltmp2:
0x75: {  	v44 =	vshll.u32 v52, v1;
	v53 =	vadd.s32 v4, v40;
	v43 =	vmul.f32 $8.000000000e+00, v59;
	[tilespmem:v58+s18+$0x0] =	vst.idx.msk $0xffff, v55;
	v56 =	vld [tilespmem:s30+$0xF0];
	(pc) =	sbr.rel @p1 .LBB2_3-.Ltmp2, $4  }
0x76: {  	v47 =	vshll.u32 v54, v1;
	v55 =	vadd.s32 v32, v33;
	[tilespmem:v51+s18+$0x0] =	vst.idx.msk $0xffff, v49;
	v50 =	vld [tilespmem:s30+$0xFFFFFF30];
	v62 =	vmul.f32 $8.000000000e+00, v62  }
0x77: {  	v51 =	vadd.s32 v27, v34;
	v45 =	vshll.u32 v48, v1;
	[tilespmem:v46+s18+$0x0] =	vst.idx.msk $0xffff, v43;
	v52 =	vld [tilespmem:s30+$0xFFFFFF70];
	v63 =	vmul.f32 $8.000000000e+00, v63  }
0x78: {  	v38 =	vbroadcast v38, $0x0;
	v46 =	vshll.u32 v60, v1;
	v48 =	vadd.s32 v7, v39;
	v49 =	vld [tilespmem:s30+$0xFFFFFFB0];
	[tilespmem:v0+s18+$0x0] =	vst.idx.msk $0xffff, v62  }
0x79: {  	s29 =	simm.s32 $0x85F0;
	s1 =	sadd.s32 $0x7, s31;
	s31 =	sadd.s32 $0x8, s31;
	v43 =	vshll.u32 v61, v1;
	v39 =	vmul.f32 $8.000000000e+00, v2;
	[tilespmem:v57+s18+$0x0] =	vst.idx.msk $0xffff, v63;
	v40 =	vmul.f32 $8.000000000e+00, v3;
	v54 =	vld [tilespmem:s30+$0xFFFFFFF0]  }
0x7a: {  	_ =	sdelay $0x3  }
0x7b: {  	v0 =	vmov s1;
	v2 =	vadd.s32 v24, v37;
	v3 =	vld [tilespmem:s30+$0x30];
	v62 =	vmul.f32 $8.000000000e+00, v56;
	[tilespmem:v55+s18+$0x0] =	vst.idx.msk $0xffff, v39  }
0x7c: {  	v36 =	vadd.s32 v8, v36;
	v0 =	vshrl.u32 v0, $0x3;
	v63 =	vmul.f32 $8.000000000e+00, v50;
	[tilespmem:v51+s18+$0x0] =	vst.idx.msk $0xffff, v40;
	v56 =	vld [tilespmem:s30+$0x70]  }
0x7d: {  	v35 =	vadd.s32 v15, v35;
	s15 =	sadd.s32 $0x200, s30;
	v0 =	vshll.u32 v0, v1;
	v57 =	vmul.f32 $8.000000000e+00, v52;
	v51 =	vld [tilespmem:s30+$0xB0];
	[tilespmem:v53+s18+$0x0] =	vst.idx.msk $0xffff, v62  }
0x7e: {  	v33 =	vadd.s32 v20, v33;
	v37 =	vld [tilespmem:s15+$0xC0];
	v0 =	vbroadcast v0, $0x0;
	[tilespmem:v48+s18+$0x0] =	vst.idx.msk $0xffff, v63;
	v58 =	vmul.f32 $8.000000000e+00, v49  }
0x7f: {  	v34 =	vadd.s32 v23, v34;
	v48 =	vld [tilespmem:s15+$0xFFFFFF00];
	[tilespmem:v41+s18+$0x0] =	vst.idx.msk $0xffff, v57;
	v59 =	vmul.f32 $8.000000000e+00, v54  }
0x80: {  	v47 =	vbroadcast v47, $0x0;
	v41 =	vld [tilespmem:s15+$0xFFFFFF40];
	v49 =	vadd.s32 v29, v0;
	[tilespmem:v2+s18+$0x0] =	vst.idx.msk $0xffff, v58;
	v2 =	vmul.f32 $8.000000000e+00, v3  }
0x81: {  	v44 =	vbroadcast v44, $0x0;
	v60 =	vld [tilespmem:s15+$0xFFFFFF80];
	v3 =	vadd.s32 v6, v38;
	[tilespmem:v36+s18+$0x0] =	vst.idx.msk $0xffff, v59;
	v63 =	vmul.f32 $8.000000000e+00, v56  }
0x82: {  	v45 =	vbroadcast v45, $0x0;
	v54 =	vadd.s32 v5, v47;
	v56 =	vld [tilespmem:s15+$0xFFFFFFC0];
	[tilespmem:v35+s18+$0x0] =	vst.idx.msk $0xffff, v2;
	v2 =	vmul.f32 $8.000000000e+00, v51  }
0x83: {  	v57 =	vadd.s32 v9, v44;
	v37 =	vmul.f32 $8.000000000e+00, v37;
	[tilespmem:v33+s18+$0x0] =	vst.idx.msk $0xffff, v63  }
0x84: {  	v58 =	vld [tilespmem:s15+$0x0];
	v36 =	vadd.s32 v13, v45;
	v59 =	vmul.f32 $8.000000000e+00, v48;
	[tilespmem:v34+s18+$0x0] =	vst.idx.msk $0xffff, v2  }
0x85: {  	v2 =	vmul.f32 $8.000000000e+00, v41;
	[tilespmem:v49+s18+$0x0] =	vst.idx.msk $0xffff, v37  }
0x86: {  	v48 =	vld [tilespmem:s15+$0x40];
	[tilespmem:v3+s18+$0x0] =	vst.idx.msk $0xffff, v59;
	v3 =	vmul.f32 $8.000000000e+00, v60  }
0x87: {  	v46 =	vbroadcast v46, $0x0;
	v41 =	vld [tilespmem:s15+$0x80];
	[tilespmem:v54+s18+$0x0] =	vst.idx.msk $0xffff, v2;
	v2 =	vmul.f32 $8.000000000e+00, v56  }
0x88: {  	v42 =	vshll.u32 v42, v1;
	v43 =	vbroadcast v43, $0x0;
	v37 =	vld [tilespmem:s15+$0xD0];
	[tilespmem:v57+s18+$0x0] =	vst.idx.msk $0xffff, v3  }
0x89: {  	v42 =	vbroadcast v42, $0x0;
	v34 =	vadd.s32 v17, v46;
	v3 =	vmul.f32 $8.000000000e+00, v58;
	v58 =	vld [tilespmem:$0x1FFD0];
	[tilespmem:v36+s18+$0x0] =	vst.idx.msk $0xffff, v2  }
0x8a: {  	v55 =	vmov v8;
	v60 =	vadd.s32 v21, v43;
	v8 =	vld [tilespmem:$0x1FFE0]  }
0x8b: {  	v40 =	vadd.s32 v25, v42;
	v63 =	vld [tilespmem:s15+$0xFFFFFF10]  }
0x8c: {  	v35 =	vadd.s32 v30, v0;
	v56 =	vld [tilespmem:s15+$0xFFFFFF90]  }
0x8d: {  	v54 =	vld [tilespmem:s15+$0xFFFFFF50];
	v2 =	vmul.f32 $8.000000000e+00, v48  }
0x8e: {  	[tilespmem:v34+s18+$0x0] =	vst.idx.msk $0xffff, v3;
	v3 =	vmul.f32 $8.000000000e+00, v41;
	v34 =	vadd.s32 v10, v44  }
0x8f: {  	v57 =	vld [tilespmem:s15+$0xFFFFFFD0];
	[tilespmem:v60+s18+$0x0] =	vst.idx.msk $0xffff, v2;
	v2 =	vmul.f32 $8.000000000e+00, v37;
	v36 =	vadd.s32 v8, v47  }
0x90: {  	v53 =	vld [tilespmem:s15+$0x10];
	[tilespmem:v40+s18+$0x0] =	vst.idx.msk $0xffff, v3;
	v50 =	vadd.s32 v58, v38  }
0x91: {  	v59 =	vmul.f32 $8.000000000e+00, v63;
	v60 =	vadd.s32 v14, v45;
	v63 =	vld [tilespmem:s15+$0x50];
	[tilespmem:v35+s18+$0x0] =	vst.idx.msk $0xffff, v2;
	v2 =	vmul.f32 $8.000000000e+00, v56  }
0x92: {  	v3 =	vmul.f32 $8.000000000e+00, v54;
	v40 =	vadd.s32 v18, v46;
	v54 =	vld [tilespmem:s15+$0x90]  }
0x93: {  	v35 =	vld [tilespmem:s15+$0xE0];
	[tilespmem:v34+s18+$0x0] =	vst.idx.msk $0xffff, v2  }
0x94: {  	v56 =	vadd.s32 v22, v43;
	v51 =	vld [tilespmem:s15+$0xFFFFFFA0];
	[tilespmem:v36+s18+$0x0] =	vst.idx.msk $0xffff, v3;
	v3 =	vmul.f32 $8.000000000e+00, v57  }
0x95: {  	v2 =	vmul.f32 $8.000000000e+00, v53;
	[tilespmem:v50+s18+$0x0] =	vst.idx.msk $0xffff, v59;
	v57 =	vadd.s32 v26, v42;
	v59 =	vld [tilespmem:s15+$0xFFFFFF60]  }
0x96: {  	v61 =	vmov v6;
	v34 =	vadd.s32 v31, v0;
	v6 =	vld [tilespmem:$0x1FFF0];
	[tilespmem:v60+s18+$0x0] =	vst.idx.msk $0xffff, v3  }
0x97: {  	v37 =	vadd.s32 v16, v47;
	[tilespmem:v40+s18+$0x0] =	vst.idx.msk $0xffff, v2;
	v3 =	vmul.f32 $8.000000000e+00, v63;
	v39 =	vld [tilespmem:s15+$0xFFFFFFE0]  }
0x98: {  	v2 =	vmul.f32 $8.000000000e+00, v54;
	v40 =	vadd.s32 v11, v44;
	v49 =	vld [tilespmem:s15+$0x20]  }
0x99: {  	v50 =	vld [tilespmem:s15+$0xFFFFFF20];
	v54 =	vadd.s32 v28, v45;
	[tilespmem:v56+s18+$0x0] =	vst.idx.msk $0xffff, v3;
	v3 =	vmul.f32 $8.000000000e+00, v35  }
0x9a: {  	v56 =	vld [tilespmem:s15+$0x60];
	[tilespmem:v57+s18+$0x0] =	vst.idx.msk $0xffff, v2;
	v57 =	vadd.s32 v19, v46;
	v2 =	vmul.f32 $8.000000000e+00, v59  }
0x9b: {  	v41 =	vadd.s32 v6, v38;
	v59 =	vld [tilespmem:s15+$0xA0];
	[tilespmem:v34+s18+$0x0] =	vst.idx.msk $0xffff, v3;
	v3 =	vmul.f32 $8.000000000e+00, v51  }
0x9c: {  	v60 =	vadd.s32 v32, v43;
	v34 =	vld [tilespmem:s15+$0xF0];
	[tilespmem:v37+s18+$0x0] =	vst.idx.msk $0xffff, v2;
	v2 =	vmul.f32 $8.000000000e+00, v39  }
0x9d: {  	v37 =	vadd.s32 v27, v42;
	[tilespmem:v40+s18+$0x0] =	vst.idx.msk $0xffff, v3;
	v3 =	vmul.f32 $8.000000000e+00, v49;
	v51 =	vld [tilespmem:s15+$0xFFFFFF70]  }
0x9e: {  	v0 =	vadd.s32 v4, v0;
	v53 =	vmul.f32 $8.000000000e+00, v50;
	v40 =	vld [tilespmem:s15+$0xFFFFFFB0];
	[tilespmem:v54+s18+$0x0] =	vst.idx.msk $0xffff, v2  }
0x9f: {  	v2 =	vmul.f32 $8.000000000e+00, v56;
	v54 =	vadd.s32 v12, v47;
	[tilespmem:v57+s18+$0x0] =	vst.idx.msk $0xffff, v3;
	v56 =	vld [tilespmem:s15+$0xFFFFFFF0]  }
0xa0: {  	v57 =	vadd.s32 v24, v44;
	[tilespmem:v41+s18+$0x0] =	vst.idx.msk $0xffff, v53;
	v3 =	vmul.f32 $8.000000000e+00, v59;
	v59 =	vld [tilespmem:s15+$0x30]  }
0xa1: {  	v52 =	vmov v15;
	v48 =	vadd.s32 v55, v45;
	v41 =	vld [tilespmem:s15+$0xFFFFFF30];
	[tilespmem:v60+s18+$0x0] =	vst.idx.msk $0xffff, v2;
	v2 =	vmul.f32 $8.000000000e+00, v34  }
0xa2: {  	v50 =	vadd.s32 v52, v46;
	v49 =	vld [tilespmem:s15+$0x70];
	[tilespmem:v37+s18+$0x0] =	vst.idx.msk $0xffff, v3;
	v3 =	vmul.f32 $8.000000000e+00, v51  }
0xa3: {  	v53 =	vadd.s32 v7, v38;
	v51 =	vld [tilespmem:s15+$0xB0];
	[tilespmem:v0+s18+$0x0] =	vst.idx.msk $0xffff, v2;
	v0 =	vmul.f32 $8.000000000e+00, v40  }
0xa4: {  	v62 =	vmov v23;
	v2 =	vadd.s32 v20, v43;
	[tilespmem:v54+s18+$0x0] =	vst.idx.msk $0xffff, v3;
	v3 =	vmul.f32 $8.000000000e+00, v56  }
0xa5: {  	v15 =	vmovc v28;
	v28 =	vmov v52;
	v52 =	vadd.s32 v62, v42;
	[tilespmem:v57+s18+$0x0] =	vst.idx.msk $0xffff, v0;
	v0 =	vmul.f32 $8.000000000e+00, v59  }
0xa6: {  	v60 =	vmul.f32 $8.000000000e+00, v41;
	[tilespmem:v48+s18+$0x0] =	vst.idx.msk $0xffff, v3  }
0xa7: {  	s0 =	simm.s32 $0x0;
	v3 =	vmul.f32 $8.000000000e+00, v49;
	[tilespmem:v50+s18+$0x0] =	vst.idx.msk $0xffff, v0  }
0xa8: {  	[tilespmem:v53+s18+$0x0] =	vst.idx.msk $0xffff, v60;
	v0 =	vmul.f32 $8.000000000e+00, v51;
	v53 =	vmov s0  }
0xa9: {  	[tilespmem:v2+s18+$0x0] =	vst.idx.msk $0xffff, v3;
	v2 =	vshrl.u32 v53, $0x3  }
0xaa: {  	[tilespmem:v52+s18+$0x0] =	vst.idx.msk $0xffff, v0;
	v0 =	vshll.u32 v2, $0x3  }
0xab: {  	v2 =	vld [tilespmem:s29+$0xFFFFFE90];
	v38 =	vbroadcast v0, $0x0;
	_ =	sdelay $0x1  }
0xac: {  	v0 =	vld [tilespmem:s29+$0xFFFFFF10];
	v3 =	vadd.s32 v9, v38;
	_ =	sdelay $0x1  }
0xad: {  	v33 =	vld [tilespmem:s29+$0xFFFFFE10];
	v54 =	vadd.s32 v17, v38  }
0xae: {  	v35 =	vld [tilespmem:s29+$0xFFFFFED0];
	v2 =	vmul.f32 $8.000000000e+00, v2  }
0xaf: {  	v63 =	vmov v16;
	v16 =	vmov v55;
	v36 =	vld [tilespmem:s29+$0xFFFFFF90];
	v55 =	vadd.s32 v61, v38  }
0xb0: {  	v57 =	vld [tilespmem:s29+$0xFFFFFFD0];
	v56 =	vadd.s32 v13, v38;
	v0 =	vmul.f32 $8.000000000e+00, v0;
	[tilespmem:v3+s19+$0x0] =	vst.idx.msk $0xffff, v2  }
0xb1: {  	v2 =	vadd.s32 v25, v38;
	v3 =	vld [tilespmem:s29+$0xFFFFFEA0]  }
0xb2: {  	v59 =	vld [tilespmem:s29+$0xFFFFFE50];
	v60 =	vadd.s32 v29, v38;
	v33 =	vmul.f32 $8.000000000e+00, v33;
	[tilespmem:v54+s19+$0x0] =	vst.idx.msk $0xffff, v0  }
0xb3: {  	v48 =	vadd.s32 v10, v38;
	v0 =	vmul.f32 $8.000000000e+00, v35;
	v49 =	vld [tilespmem:s29+$0xFFFFFF20]  }
0xb4: {  	s30 =	simm.s32 $0x87F0;
	v50 =	vld [tilespmem:s29+$0xFFFFFF50];
	v51 =	vadd.s32 v5, v38;
	v52 =	vmul.f32 $8.000000000e+00, v36;
	[tilespmem:v55+s19+$0x0] =	vst.idx.msk $0xffff, v33  }
0xb5: {  	v41 =	vld [tilespmem:s30+$0xFFFFFE50];
	v54 =	vadd.s32 v18, v38;
	[tilespmem:v56+s19+$0x0] =	vst.idx.msk $0xffff, v0;
	v0 =	vmul.f32 $8.000000000e+00, v57  }
0xb6: {  	v42 =	vld [tilespmem:s30+$0xFFFFFF50];
	[tilespmem:v2+s19+$0x0] =	vst.idx.msk $0xffff, v52;
	v2 =	vmul.f32 $8.000000000e+00, v3  }
0xb7: {  	v53 =	vld [tilespmem:s29+$0xFFFFFE20];
	[tilespmem:v60+s19+$0x0] =	vst.idx.msk $0xffff, v0;
	v3 =	vmul.f32 $8.000000000e+00, v59  }
0xb8: {  	s31 =	simm.s32 $0x8;
	v45 =	vld [tilespmem:s30+$0xFFFFFF10];
	[tilespmem:v48+s19+$0x0] =	vst.idx.msk $0xffff, v2;
	v2 =	vmul.f32 $8.000000000e+00, v49  }
0xb9: {  	v57 =	vadd.s32 v58, v38;
	v0 =	vld [tilespmem:s29+$0xFFFFFFE0];
	v59 =	vmov s31;
	[tilespmem:v51+s19+$0x0] =	vst.idx.msk $0xffff, v3  }
0xba: {  	v33 =	vshrl.u32 v59, $0x3;
	v3 =	vld [tilespmem:s29+$0xFFFFFEB0];
	[tilespmem:v54+s19+$0x0] =	vst.idx.msk $0xffff, v2;
	v2 =	vadd.s32 v21, v38  }
0xbb: {  	v33 =	vshll.u32 v33, $0x3;
	v55 =	vld [tilespmem:s29+$0xFFFFFE60];
	v54 =	vadd.s32 v30, v38  }
0xbc: {  	v47 =	vld [tilespmem:s30+$0xFFFFFE90];
	v36 =	vmul.f32 $8.000000000e+00, v53;
	v53 =	vadd.s32 v11, v38;
	v33 =	vbroadcast v33, $0x0  }
0xbd: {  	v43 =	vmul.f32 $8.000000000e+00, v50;
	v60 =	vadd.s32 v8, v38;
	v56 =	vld [tilespmem:s29+$0xFFFFFF30]  }
0xbe: {  	v39 =	vld [tilespmem:s29+$0xFFFFFEE0];
	[tilespmem:v57+s19+$0x0] =	vst.idx.msk $0xffff, v36;
	v0 =	vmul.f32 $8.000000000e+00, v0;
	v59 =	vadd.s32 v5, v33  }
0xbf: {  	v52 =	vadd.s32 v19, v38;
	v40 =	vld [tilespmem:s29+$0xFFFFFFA0];
	v3 =	vmul.f32 $8.000000000e+00, v3;
	[tilespmem:v2+s19+$0x0] =	vst.idx.msk $0xffff, v43  }
0xc0: {  	v36 =	vld [tilespmem:s30+$0xFFFFFF90];
	v34 =	vmul.f32 $8.000000000e+00, v55;
	v55 =	vadd.s32 v14, v38;
	[tilespmem:v54+s19+$0x0] =	vst.idx.msk $0xffff, v0  }
0xc1: {  	v41 =	vmul.f32 $8.000000000e+00, v41;
	v2 =	vld [tilespmem:s30+$0xFFFFFE10];
	[tilespmem:v53+s19+$0x0] =	vst.idx.msk $0xffff, v3;
	v53 =	vadd.s32 v26, v38  }
0xc2: {  	v0 =	vadd.s32 v9, v33;
	v43 =	vld [tilespmem:s30+$0xFFFFFFD0];
	v35 =	vmul.f32 $8.000000000e+00, v56;
	[tilespmem:v60+s19+$0x0] =	vst.idx.msk $0xffff, v34  }
0xc3: {  	v56 =	vadd.s32 v61, v33;
	v57 =	vld [tilespmem:s29+$0xFFFFFF60];
	v3 =	vmul.f32 $8.000000000e+00, v39;
	[tilespmem:v59+s19+$0x0] =	vst.idx.msk $0xffff, v41  }
0xc4: {  	v40 =	vmul.f32 $8.000000000e+00, v40;
	v60 =	vld [tilespmem:s30+$0xFFFFFED0];
	[tilespmem:v52+s19+$0x0] =	vst.idx.msk $0xffff, v35  }
0xc5: {  	v46 =	vld [tilespmem:s29+$0xFFFFFE70];
	v52 =	vadd.s32 v22, v38;
	[tilespmem:v55+s19+$0x0] =	vst.idx.msk $0xffff, v3;
	v55 =	vmul.f32 $8.000000000e+00, v47  }
0xc6: {  	v41 =	vadd.s32 v17, v33;
	v48 =	vld [tilespmem:s29+$0xFFFFFF40];
	v2 =	vmul.f32 $8.000000000e+00, v2;
	[tilespmem:v53+s19+$0x0] =	vst.idx.msk $0xffff, v40  }
0xc7: {  	v54 =	vadd.s32 v21, v33;
	[tilespmem:v0+s19+$0x0] =	vst.idx.msk $0xffff, v55;
	v55 =	vmul.f32 $8.000000000e+00, v36;
	v36 =	vld [tilespmem:s29+$0xFFFFFE30]  }
0xc8: {  	v39 =	vadd.s32 v25, v33;
	v34 =	vmul.f32 $8.000000000e+00, v57;
	[tilespmem:v56+s19+$0x0] =	vst.idx.msk $0xffff, v2;
	v2 =	vld [tilespmem:s29+$0xFFFFFEF0]  }
0xc9: {  	v3 =	vadd.s32 v13, v33;
	v56 =	vmul.f32 $8.000000000e+00, v60;
	v0 =	vld [tilespmem:s29+$0xFFFFFFB0];
	v60 =	vmul.f32 $8.000000000e+00, v45  }
0xca: {  	v59 =	vmul.f32 $8.000000000e+00, v42;
	v57 =	vadd.s32 v15, v38;
	[tilespmem:v52+s19+$0x0] =	vst.idx.msk $0xffff, v34;
	v34 =	vld [tilespmem:s29+$0xFFFFFFF0]  }
0xcb: {  	v51 =	vld [tilespmem:s30+$0xFFFFFEA0];
	[tilespmem:v41+s19+$0x0] =	vst.idx.msk $0xffff, v60;
	v60 =	vadd.s32 v27, v38  }
0xcc: {  	v44 =	vadd.s32 v31, v38;
	[tilespmem:v54+s19+$0x0] =	vst.idx.msk $0xffff, v59;
	v49 =	vld [tilespmem:s30+$0xFFFFFE20]  }
0xcd: {  	v45 =	vadd.s32 v29, v33;
	[tilespmem:v39+s19+$0x0] =	vst.idx.msk $0xffff, v55;
	v50 =	vld [tilespmem:s29+$0xFFFFFF70];
	v2 =	vmul.f32 $8.000000000e+00, v2  }
0xce: {  	v54 =	vadd.s32 v58, v33;
	[tilespmem:v3+s19+$0x0] =	vst.idx.msk $0xffff, v56;
	v3 =	vld [tilespmem:s29+$0xFFFFFEC0];
	v0 =	vmul.f32 $8.000000000e+00, v0  }
0xcf: {  	v41 =	vadd.s32 v63, v38;
	v35 =	vld [tilespmem:s30+$0xFFFFFFA0];
	v56 =	vmul.f32 $8.000000000e+00, v34;
	[tilespmem:v57+s19+$0x0] =	vst.idx.msk $0xffff, v2  }
0xd0: {  	v40 =	vld [tilespmem:s30+$0xFFFFFF20];
	v2 =	vadd.s32 v10, v33;
	v57 =	vmul.f32 $8.000000000e+00, v43;
	[tilespmem:v60+s19+$0x0] =	vst.idx.msk $0xffff, v0  }
0xd1: {  	v34 =	vld [tilespmem:s30+$0xFFFFFEE0];
	v59 =	vmul.f32 $8.000000000e+00, v49;
	[tilespmem:v44+s19+$0x0] =	vst.idx.msk $0xffff, v56  }
0xd2: {  	v23 =	vmov v32;
	v42 =	vadd.s32 v6, v38;
	v43 =	vld [tilespmem:s29+$0xFFFFFF00];
	[tilespmem:v45+s19+$0x0] =	vst.idx.msk $0xffff, v57;
	v57 =	vmul.f32 $8.000000000e+00, v46  }
0xd3: {  	v49 =	vadd.s32 v23, v38;
	v60 =	vmul.f32 $8.000000000e+00, v50;
	[tilespmem:v54+s19+$0x0] =	vst.idx.msk $0xffff, v59;
	v59 =	vmul.f32 $8.000000000e+00, v51;
	v50 =	vld [tilespmem:s29+$0xFFFFFFC0]  }
0xd4: {  	v45 =	vadd.s32 v24, v38;
	v52 =	vld [tilespmem:s29+$0x0];
	[tilespmem:v41+s19+$0x0] =	vst.idx.msk $0xffff, v57  }
0xd5: {  	v37 =	vadd.s32 v26, v33;
	v55 =	vld [tilespmem:s30+$0xFFFFFFE0];
	v41 =	vadd.s32 v18, v33;
	[tilespmem:v2+s19+$0x0] =	vst.idx.msk $0xffff, v59;
	v2 =	vmul.f32 $8.000000000e+00, v36  }
0xd6: {  	v47 =	vadd.s32 v12, v38;
	v3 =	vmul.f32 $8.000000000e+00, v3;
	v56 =	vadd.s32 v28, v38;
	v44 =	vld [tilespmem:s29+$0xFFFFFE80]  }
0xd7: {  	v0 =	vmul.f32 $8.000000000e+00, v48;
	v48 =	vadd.s32 v7, v38;
	v51 =	vadd.s32 v4, v38;
	v39 =	vld [tilespmem:s30+$0xFFFFFEB0];
	[tilespmem:v42+s19+$0x0] =	vst.idx.msk $0xffff, v2  }
0xd8: {  	v32 =	vmovc v4;
	v4 =	vmovc v5;
	v5 =	vmov v8;
	v8 =	vmov v12;
	[tilespmem:v49+s19+$0x0] =	vst.idx.msk $0xffff, v60;
	v2 =	vmul.f32 $8.000000000e+00, v40;
	v46 =	vld [tilespmem:s29+$0xFFFFFE40]  }
0xd9: {  	v12 =	vmovc v24;
	v24 =	vmov v20;
	v49 =	vadd.s32 v62, v38;
	[tilespmem:v45+s19+$0x0] =	vst.idx.msk $0xffff, v3;
	v40 =	vmul.f32 $8.000000000e+00, v43;
	v43 =	vld [tilespmem:s30+$0xFFFFFE60]  }
0xda: {  	v36 =	vadd.s32 v14, v33;
	v45 =	vld [tilespmem:s29+$0xFFFFFF80];
	v54 =	vmul.f32 $8.000000000e+00, v52;
	v52 =	vadd.s32 v16, v38;
	[tilespmem:v41+s19+$0x0] =	vst.idx.msk $0xffff, v2  }
0xdb: {  	[tilespmem:v56+s19+$0x0] =	vst.idx.msk $0xffff, v0;
	v42 =	vmul.f32 $8.000000000e+00, v55;
	s29 =	simm.s32 $0x89F0;
	v53 =	vmul.f32 $8.000000000e+00, v44;
	v41 =	vld [tilespmem:s30+$0xFFFFFF30];
	v44 =	vadd.s32 v20, v38;
	v20 =	vmovc v28  }
.LBB2_5:
0xdc: {  	s31 =	sadd.s32 $0x8, s31;
	v0 =	vld [tilespmem:s29+$0xFFFFFE50];
	v2 =	vmul.f32 $8.000000000e+00, v50;
	[tilespmem:v51+s19+$0x0] =	vst.idx.msk $0xffff, v54;
	v38 =	vmov v33  }
0xdd: {  	v3 =	vmov s31;
	v50 =	vld [tilespmem:s29+$0xFFFFFF50];
	p1 =	slt.u32 s31, $0x78;
	v51 =	vadd.s32 v5, v38;
	v33 =	vmul.f32 $8.000000000e+00, v46;
	[tilespmem:v47+s19+$0x0] =	vst.idx.msk $0xffff, v53  }
0xde: {  	v39 =	vmul.f32 $8.000000000e+00, v39;
	v47 =	vadd.s32 v19, v38;
	v3 =	vshrl.u32 v3, $0x3;
	v46 =	vld [tilespmem:s29+$0xFFFFFF10];
	[tilespmem:v49+s19+$0x0] =	vst.idx.msk $0xffff, v2  }
0xdf: {  	v49 =	vadd.s32 v11, v38;
	v2 =	vshll.u32 v3, $0x3;
	v3 =	vld [tilespmem:s29+$0xFFFFFE90];
	[tilespmem:v48+s19+$0x0] =	vst.idx.msk $0xffff, v33;
	v45 =	vmul.f32 $8.000000000e+00, v45  }
0xe0: {  	v48 =	vld [tilespmem:s29+$0xFFFFFE10];
	v33 =	vbroadcast v2, $0x0;
	v2 =	vmul.f32 $8.000000000e+00, v43;
	v43 =	vadd.s32 v30, v38;
	[tilespmem:v52+s19+$0x0] =	vst.idx.msk $0xffff, v40  }
0xe1: {  	v41 =	vmul.f32 $8.000000000e+00, v41;
	v40 =	vld [tilespmem:s29+$0xFFFFFF90];
	[tilespmem:v44+s19+$0x0] =	vst.idx.msk $0xffff, v45  }
0xe2: {  	v44 =	vadd.s32 v61, v33;
	[tilespmem:v51+s19+$0x0] =	vst.idx.msk $0xffff, v2;
	v2 =	vld [tilespmem:s30+$0xFFFFFF60]  }
0xe3: {  	v45 =	vadd.s32 v4, v33;
	v51 =	vld [tilespmem:s29+$0xFFFFFED0];
	[tilespmem:v47+s19+$0x0] =	vst.idx.msk $0xffff, v41  }
0xe4: {  	v34 =	vmul.f32 $8.000000000e+00, v34;
	v41 =	vadd.s32 v9, v33;
	v47 =	vld [tilespmem:s30+$0xFFFFFE70];
	[tilespmem:v49+s19+$0x0] =	vst.idx.msk $0xffff, v39;
	v39 =	vadd.s32 v22, v38  }
0xe5: {  	v49 =	vadd.s32 v13, v33;
	v48 =	vmul.f32 $8.000000000e+00, v48;
	v52 =	vld [tilespmem:s30+$0xFFFFFF40];
	[tilespmem:v43+s19+$0x0] =	vst.idx.msk $0xffff, v42  }
0xe6: {  	v0 =	vmul.f32 $8.000000000e+00, v0;
	v42 =	vadd.s32 v17, v33;
	v43 =	vld [tilespmem:s29+$0xFFFFFFD0];
	[tilespmem:v36+s19+$0x0] =	vst.idx.msk $0xffff, v34  }
0xe7: {  	v3 =	vmul.f32 $8.000000000e+00, v3;
	v34 =	vadd.s32 v21, v33;
	[tilespmem:v44+s19+$0x0] =	vst.idx.msk $0xffff, v48;
	v36 =	vld [tilespmem:s30+$0xFFFFFEF0];
	v2 =	vmul.f32 $8.000000000e+00, v2  }
0xe8: {  	v35 =	vmul.f32 $8.000000000e+00, v35;
	v44 =	vld [tilespmem:s29+$0xFFFFFE20];
	[tilespmem:v45+s19+$0x0] =	vst.idx.msk $0xffff, v0;
	v0 =	vmul.f32 $8.000000000e+00, v51;
	v45 =	vadd.s32 v25, v33  }
0xe9: {  	v46 =	vmul.f32 $8.000000000e+00, v46;
	[tilespmem:v39+s19+$0x0] =	vst.idx.msk $0xffff, v2;
	v2 =	vld [tilespmem:s30+$0xFFFFFFF0]  }
0xea: {  	v48 =	vadd.s32 v29, v33;
	v39 =	vmul.f32 $8.000000000e+00, v50;
	v50 =	vadd.s32 v15, v38;
	v51 =	vld [tilespmem:s30+$0xFFFFFF70];
	[tilespmem:v37+s19+$0x0] =	vst.idx.msk $0xffff, v35  }
0xeb: {  	v53 =	vadd.s32 v58, v33;
	[tilespmem:v41+s19+$0x0] =	vst.idx.msk $0xffff, v3;
	v3 =	vmul.f32 $8.000000000e+00, v40;
	v40 =	vld [tilespmem:s30+$0xFFFFFFB0];
	v41 =	vadd.s32 v31, v38  }
0xec: {  	v54 =	vadd.s32 v10, v33;
	v55 =	vmul.f32 $8.000000000e+00, v52;
	[tilespmem:v49+s19+$0x0] =	vst.idx.msk $0xffff, v0;
	v0 =	vld [tilespmem:s30+$0xFFFFFEC0];
	v35 =	vmul.f32 $8.000000000e+00, v36  }
0xed: {  	v36 =	vadd.s32 v14, v33;
	v49 =	vld [tilespmem:s29+$0xFFFFFEA0];
	[tilespmem:v34+s19+$0x0] =	vst.idx.msk $0xffff, v39;
	v39 =	vmul.f32 $8.000000000e+00, v43  }
0xee: {  	v43 =	vmul.f32 $8.000000000e+00, v44;
	[tilespmem:v42+s19+$0x0] =	vst.idx.msk $0xffff, v46;
	v42 =	vadd.s32 v18, v33;
	v44 =	vld [tilespmem:s30+$0xFFFFFE30];
	v2 =	vmul.f32 $8.000000000e+00, v2  }
0xef: {  	v46 =	vadd.s32 v63, v38;
	v34 =	vld [tilespmem:s29+$0xFFFFFEE0];
	[tilespmem:v50+s19+$0x0] =	vst.idx.msk $0xffff, v35  }
0xf0: {  	v37 =	vadd.s32 v26, v33;
	[tilespmem:v45+s19+$0x0] =	vst.idx.msk $0xffff, v3;
	v3 =	vld [tilespmem:s30+$0xFFFFFF00]  }
0xf1: {  	v45 =	vadd.s32 v27, v38;
	v35 =	vld [tilespmem:s29+$0xFFFFFFA0];
	[tilespmem:v41+s19+$0x0] =	vst.idx.msk $0xffff, v2  }
0xf2: {  	v41 =	vadd.s32 v6, v38;
	v2 =	vld [tilespmem:s29+$0xFFFFFF20];
	[tilespmem:v48+s19+$0x0] =	vst.idx.msk $0xffff, v39;
	v39 =	vmul.f32 $8.000000000e+00, v47  }
0xf3: {  	v48 =	vadd.s32 v12, v38;
	[tilespmem:v53+s19+$0x0] =	vst.idx.msk $0xffff, v43;
	v43 =	vmul.f32 $8.000000000e+00, v49;
	v49 =	vadd.s32 v23, v38;
	v52 =	vld [tilespmem:s30+$0x0]  }
0xf4: {  	v40 =	vmul.f32 $8.000000000e+00, v40;
	v53 =	vmul.f32 $8.000000000e+00, v51;
	v56 =	vld [tilespmem:s29+$0xFFFFFFE0];
	[tilespmem:v46+s19+$0x0] =	vst.idx.msk $0xffff, v39  }
0xf5: {  	[tilespmem:v54+s19+$0x0] =	vst.idx.msk $0xffff, v43;
	v43 =	vmul.f32 $8.000000000e+00, v44;
	v44 =	vld [tilespmem:s30+$0xFFFFFE80]  }
0xf6: {  	v57 =	vadd.s32 v20, v38;
	v0 =	vmul.f32 $8.000000000e+00, v0;
	v39 =	vld [tilespmem:s29+$0xFFFFFEB0];
	[tilespmem:v45+s19+$0x0] =	vst.idx.msk $0xffff, v40  }
.Ltmp3:
0xf7: {  	v51 =	vadd.s32 v32, v38;
	v40 =	vmul.f32 $8.000000000e+00, v3;
	[tilespmem:v41+s19+$0x0] =	vst.idx.msk $0xffff, v43;
	v50 =	vld [tilespmem:s30+$0xFFFFFFC0];
	(pc) =	sbr.rel @p1 .LBB2_5-.Ltmp3, $4  }
0xf8: {  	v47 =	vadd.s32 v8, v38;
	v2 =	vmul.f32 $8.000000000e+00, v2;
	v46 =	vld [tilespmem:s30+$0xFFFFFE40];
	[tilespmem:v48+s19+$0x0] =	vst.idx.msk $0xffff, v0  }
0xf9: {  	v43 =	vld [tilespmem:s29+$0xFFFFFE60];
	[tilespmem:v49+s19+$0x0] =	vst.idx.msk $0xffff, v53;
	v49 =	vadd.s32 v62, v38  }
0xfa: {  	v48 =	vadd.s32 v7, v38;
	v54 =	vmul.f32 $8.000000000e+00, v52;
	[tilespmem:v42+s19+$0x0] =	vst.idx.msk $0xffff, v2;
	v53 =	vmul.f32 $8.000000000e+00, v44;
	v45 =	vld [tilespmem:s30+$0xFFFFFF80];
	s30 =	smov.u32 s29  }
0xfb: {  	v52 =	vadd.s32 v16, v38;
	v42 =	vmul.f32 $8.000000000e+00, v56;
	s29 =	sadd.s32 $0x200, s29;
	v44 =	vadd.s32 v24, v38;
	v41 =	vld [tilespmem:s30+$0xFFFFFF30];
	[tilespmem:v57+s19+$0x0] =	vst.idx.msk $0xffff, v55  }
0xfc: {  	_ =	sdelay $0x3  }
0xfd: {  	[tilespmem:v51+s19+$0x0] =	vst.idx.msk $0xffff, v54;
	v2 =	vadd.s32 v30, v33  }
0xfe: {  	v0 =	vmul.f32 $8.000000000e+00, v50;
	v3 =	vadd.s32 v5, v33;
	[tilespmem:v47+s19+$0x0] =	vst.idx.msk $0xffff, v53  }
0xff: {  	[tilespmem:v52+s19+$0x0] =	vst.idx.msk $0xffff, v40;
	v34 =	vmul.f32 $8.000000000e+00, v34  }
0x100: {  	[tilespmem:v49+s19+$0x0] =	vst.idx.msk $0xffff, v0;
	v0 =	vld [tilespmem:s30+$0xFFFFFF60]  }
0x101: {  	v57 =	vmul.f32 $8.000000000e+00, v43;
	[tilespmem:v36+s19+$0x0] =	vst.idx.msk $0xffff, v34  }
0x102: {  	v59 =	vadd.s32 v22, v33;
	v38 =	vmul.f32 $8.000000000e+00, v46;
	[tilespmem:v2+s19+$0x0] =	vst.idx.msk $0xffff, v42  }
0x103: {  	v60 =	vadd.s32 v11, v33;
	v2 =	vmul.f32 $8.000000000e+00, v35;
	[tilespmem:v3+s19+$0x0] =	vst.idx.msk $0xffff, v57;
	v3 =	vld [tilespmem:s30+$0xFFFFFFF0]  }
0x104: {  	v46 =	vadd.s32 v19, v33;
	[tilespmem:v48+s19+$0x0] =	vst.idx.msk $0xffff, v38;
	v45 =	vmul.f32 $8.000000000e+00, v45;
	v47 =	vld [tilespmem:s30+$0xFFFFFE70]  }
0x105: {  	v48 =	vadd.s32 v31, v33;
	v51 =	vld [tilespmem:s30+$0xFFFFFEF0];
	[tilespmem:v37+s19+$0x0] =	vst.idx.msk $0xffff, v2;
	v0 =	vmul.f32 $8.000000000e+00, v0  }
0x106: {  	v39 =	vmul.f32 $8.000000000e+00, v39;
	v50 =	vadd.s32 v63, v33;
	[tilespmem:v44+s19+$0x0] =	vst.idx.msk $0xffff, v45;
	v2 =	vld [tilespmem:s30+$0xFFFFFFB0]  }
0x107: {  	v54 =	vadd.s32 v15, v33;
	v49 =	vld [tilespmem:s30+$0xFFFFFE30];
	v41 =	vmul.f32 $8.000000000e+00, v41;
	[tilespmem:v59+s19+$0x0] =	vst.idx.msk $0xffff, v0  }
0x108: {  	[tilespmem:v60+s19+$0x0] =	vst.idx.msk $0xffff, v39;
	v0 =	vadd.s32 v27, v33;
	v52 =	vld [tilespmem:s30+$0xFFFFFF70];
	v3 =	vmul.f32 $8.000000000e+00, v3  }
0x109: {  	v53 =	vadd.s32 v6, v33;
	[tilespmem:v46+s19+$0x0] =	vst.idx.msk $0xffff, v41;
	v55 =	vld [tilespmem:s30+$0xFFFFFEC0];
	v56 =	vmul.f32 $8.000000000e+00, v47  }
0x10a: {  	v57 =	vld [tilespmem:s30+$0xFFFFFF40];
	v47 =	vmul.f32 $8.000000000e+00, v51;
	[tilespmem:v48+s19+$0x0] =	vst.idx.msk $0xffff, v3;
	v3 =	vadd.s32 v23, v33  }
0x10b: {  	v59 =	vadd.s32 v12, v33;
	v2 =	vmul.f32 $8.000000000e+00, v2;
	[tilespmem:v50+s19+$0x0] =	vst.idx.msk $0xffff, v56;
	v60 =	vld [tilespmem:s30+$0x0]  }
0x10c: {  	v34 =	vmul.f32 $8.000000000e+00, v49;
	v48 =	vadd.s32 v20, v33;
	[tilespmem:v54+s19+$0x0] =	vst.idx.msk $0xffff, v47;
	v41 =	vld [tilespmem:s30+$0xFFFFFE80]  }
0x10d: {  	v49 =	vadd.s32 v32, v33;
	v54 =	vld [tilespmem:s30+$0xFFFFFF00];
	[tilespmem:v0+s19+$0x0] =	vst.idx.msk $0xffff, v2;
	v0 =	vmul.f32 $8.000000000e+00, v52  }
0x10e: {  	[tilespmem:v53+s19+$0x0] =	vst.idx.msk $0xffff, v34;
	v50 =	vmul.f32 $8.000000000e+00, v55;
	v52 =	vadd.s32 v8, v33;
	v2 =	vld [tilespmem:s30+$0xFFFFFFC0]  }
0x10f: {  	v51 =	vld [tilespmem:s30+$0xFFFFFE40];
	v53 =	vmul.f32 $8.000000000e+00, v57;
	v57 =	vadd.s32 v16, v33;
	[tilespmem:v3+s19+$0x0] =	vst.idx.msk $0xffff, v0  }
0x110: {  	[tilespmem:v59+s19+$0x0] =	vst.idx.msk $0xffff, v50;
	v0 =	vadd.s32 v62, v33;
	v55 =	vld [tilespmem:s30+$0xFFFFFF80];
	v56 =	vmul.f32 $8.000000000e+00, v60  }
0x111: {  	v3 =	vadd.s32 v7, v33;
	[tilespmem:v48+s19+$0x0] =	vst.idx.msk $0xffff, v53;
	v41 =	vmul.f32 $8.000000000e+00, v41  }
0x112: {  	v59 =	vadd.s32 v24, v33;
	v62 =	vmul.f32 $8.000000000e+00, v54;
	[tilespmem:v49+s19+$0x0] =	vst.idx.msk $0xffff, v56  }
0x113: {  	v2 =	vmul.f32 $8.000000000e+00, v2;
	[tilespmem:v52+s19+$0x0] =	vst.idx.msk $0xffff, v41  }
0x114: {  	v60 =	vmul.f32 $8.000000000e+00, v51;
	[tilespmem:v57+s19+$0x0] =	vst.idx.msk $0xffff, v62  }
0x115: {  	s0 =	sshll.u32 s26, $0x11;
	[tilespmem:v0+s19+$0x0] =	vst.idx.msk $0xffff, v2;
	v0 =	vmul.f32 $8.000000000e+00, v55  }
0x116: {  	s29 =	sor.u32 s6, s0;
	[tilespmem:v3+s19+$0x0] =	vst.idx.msk $0xffff, v60  }
0x117: {  	s13 =	simm.s32 $0xE400;
	s30 =	sadd.s32 s2, s29;
	[tilespmem:v59+s19+$0x0] =	vst.idx.msk $0xffff, v0  }
0x118: {  	[hbm4b:s30+s3] =	stream.linear.scatter [tilespmem:s13], [sflag:$0x3], $0x80, $0x38;
	[tilespmem:$0x17400] =	vst v63  }
0x119: {  	s15 =	simm.s32 $0xE490;
	s1 =	sadd.s32 $0x10, s30  }
0x11a: {  	[hbm4b:s1+s3] =	stream.linear.scatter [tilespmem:s15], [sflag:$0x3], $0x80, $0x38;
	[tilespmem:$0x17400] =	vst v63  }
0x11b: {  	s13 =	simm.s32 $0xE520;
	s15 =	sadd.s32 $0x20, s30  }
0x11c: {  	[hbm4b:s15+s3] =	stream.linear.scatter [tilespmem:s13], [sflag:$0x3], $0x80, $0x38;
	[tilespmem:$0x17400] =	vst v63  }
0x11d: {  	s13 =	simm.s32 $0xE5B0;
	s15 =	sadd.s32 $0x30, s30  }
0x11e: {  	[hbm4b:s15+s3] =	stream.linear.scatter [tilespmem:s13], [sflag:$0x3], $0x80, $0x38;
	[tilespmem:$0x17400] =	vst v63  }
0x11f: {  	s13 =	simm.s32 $0xE640;
	s15 =	sadd.s32 $0x40, s30  }
0x120: {  	[hbm4b:s15+s3] =	stream.linear.scatter [tilespmem:s13], [sflag:$0x3], $0x80, $0x38;
	[tilespmem:$0x17400] =	vst v63  }
0x121: {  	s31 =	simm.s32 $0x2400;
	s13 =	simm.s32 $0xE6D0;
	s15 =	sadd.s32 $0x50, s30  }
0x122: {  	[hbm4b:s15+s3] =	stream.linear.scatter [tilespmem:s13], [sflag:$0x3], $0x80, $0x38;
	[tilespmem:$0x17400] =	vst v63  }
0x123: {  	s0 =	simm.s32 $0xE7F0;
	s13 =	simm.s32 $0xE760;
	s15 =	sadd.s32 $0x60, s30  }
0x124: {  	[hbm4b:s15+s3] =	stream.linear.scatter [tilespmem:s13], [sflag:$0x3], $0x80, $0x38;
	[tilespmem:$0x17400] =	vst v63  }
0x125: {  	s1 =	simm.s32 $0x480;
	s13 =	sadd.s32 $0x70, s30;
	s30 =	sadd.s32 $0x1000, s30  }
.LBB2_7:
0x126: {  	[hbm4b:s13+s3] =	stream.linear.scatter [tilespmem:s0], [sflag:$0x3], $0x80, $0x38;
	[tilespmem:$0x17400] =	vst v63  }
0x127: {  	s0 =	smov.u32 s1;
	s1 =	smov.u32 s31  }
0x128: {  	s15 =	sadd.s32 $0x1200, s31;
	s1 =	sshra.s32 s1, $0x2;
	s13 =	sadd.s32 $0xE400, s0  }
0x129: {  	[hbm4b:s30+s3] =	stream.linear.scatter [tilespmem:s13], [sflag:$0x3], $0x80, $0x38;
	[tilespmem:$0x17400] =	vst v63  }
0x12a: {  	p1 =	sne.s32 s31, $0x10E00;
	s31 =	sadd.s32 $0x10, s30;
	s13 =	sadd.s32 $0xE490, s0  }
0x12b: {  	[hbm4b:s31+s3] =	stream.linear.scatter [tilespmem:s13], [sflag:$0x3], $0x80, $0x38;
	[tilespmem:$0x17400] =	vst v63  }
0x12c: {  	s13 =	sadd.s32 $0xE520, s0;
	s31 =	sadd.s32 $0x20, s30  }
0x12d: {  	[hbm4b:s31+s3] =	stream.linear.scatter [tilespmem:s13], [sflag:$0x3], $0x80, $0x38;
	[tilespmem:$0x17400] =	vst v63  }
0x12e: {  	s13 =	sadd.s32 $0xE5B0, s0;
	s31 =	sadd.s32 $0x30, s30  }
0x12f: {  	[hbm4b:s31+s3] =	stream.linear.scatter [tilespmem:s13], [sflag:$0x3], $0x80, $0x38;
	[tilespmem:$0x17400] =	vst v63  }
0x130: {  	s13 =	sadd.s32 $0xE640, s0;
	s31 =	sadd.s32 $0x40, s30  }
0x131: {  	[hbm4b:s31+s3] =	stream.linear.scatter [tilespmem:s13], [sflag:$0x3], $0x80, $0x38;
	[tilespmem:$0x17400] =	vst v63  }
.Ltmp4:
0x132: {  	s13 =	sadd.s32 $0xE6D0, s0;
	s31 =	sadd.s32 $0x50, s30;
	(pc) =	sbr.rel @p1 .LBB2_7-.Ltmp4, $4  }
0x133: {  	[hbm4b:s31+s3] =	stream.linear.scatter [tilespmem:s13], [sflag:$0x3], $0x80, $0x38;
	[tilespmem:$0x17400] =	vst v63  }
0x134: {  	s13 =	sadd.s32 $0xE760, s0;
	s31 =	sadd.s32 $0x60, s30;
	s0 =	sadd.s32 $0xE7F0, s0  }
0x135: {  	[hbm4b:s31+s3] =	stream.linear.scatter [tilespmem:s13], [sflag:$0x3], $0x80, $0x38;
	[tilespmem:$0x17400] =	vst v63  }
0x136: {  	s13 =	sadd.s32 $0x70, s30;
	s30 =	sadd.s32 $0x1000, s30;
	s31 =	smov.u32 s15  }
0x137: {  	[hbm4b:s13+s3] =	stream.linear.scatter [tilespmem:s0], [sflag:$0x3], $0x80, $0x38;
	[tilespmem:$0x17400] =	vst v63  }
0x138: {  	s13 =	sadd.s32 $0xE400, s1  }
0x139: {  	[hbm4b:s30+s3] =	stream.linear.scatter [tilespmem:s13], [sflag:$0x3], $0x80, $0x38;
	[tilespmem:$0x17400] =	vst v63  }
0x13a: {  	s15 =	sadd.s32 $0xE490, s1;
	s31 =	sadd.s32 $0x10, s30  }
0x13b: {  	[hbm4b:s31+s3] =	stream.linear.scatter [tilespmem:s15], [sflag:$0x3], $0x80, $0x38;
	[tilespmem:$0x17400] =	vst v63  }
0x13c: {  	s15 =	sadd.s32 $0xE520, s1;
	s31 =	sadd.s32 $0x20, s30  }
0x13d: {  	[hbm4b:s31+s3] =	stream.linear.scatter [tilespmem:s15], [sflag:$0x3], $0x80, $0x38;
	[tilespmem:$0x17400] =	vst v63  }
0x13e: {  	s15 =	sadd.s32 $0xE5B0, s1;
	s31 =	sadd.s32 $0x30, s30  }
0x13f: {  	[hbm4b:s31+s3] =	stream.linear.scatter [tilespmem:s15], [sflag:$0x3], $0x80, $0x38;
	[tilespmem:$0x17400] =	vst v63  }
0x140: {  	s15 =	sadd.s32 $0xE640, s1;
	s31 =	sadd.s32 $0x40, s30  }
0x141: {  	[hbm4b:s31+s3] =	stream.linear.scatter [tilespmem:s15], [sflag:$0x3], $0x80, $0x38;
	[tilespmem:$0x17400] =	vst v63  }
0x142: {  	p1 =	sne.s32 s26, $0x31;
	s15 =	sadd.s32 $0xE6D0, s1;
	s31 =	sadd.s32 $0x50, s30  }
0x143: {  	[hbm4b:s31+s3] =	stream.linear.scatter [tilespmem:s15], [sflag:$0x3], $0x80, $0x38;
	[tilespmem:$0x17400] =	vst v63  }
.Ltmp5:
0x144: {  	_ = 	snop;
	(pc) =	sbr.rel @p1 .LBB2_10-.Ltmp5, $4  }
0x145: {  	s15 =	sadd.s32 $0xE760, s1;
	s31 =	sadd.s32 $0x60, s30  }
0x146: {  	[hbm4b:s31+s3] =	stream.linear.scatter [tilespmem:s15], [sflag:$0x3], $0x80, $0x38;
	[tilespmem:$0x17400] =	vst v63  }
0x147: {  	s15 =	sadd.s32 $0xE7F0, s1;
	s31 =	sadd.s32 $0x70, s30  }
0x148: {  	[hbm4b:s31+s3] =	stream.linear.scatter [tilespmem:s15], [sflag:$0x3], $0x80, $0x38;
	[tilespmem:$0x17400] =	vst v63  }
.Ltmp6:
0x149: {  	(pc) =	sbr.rel .LBB2_11-.Ltmp6, $4  }
0x14a: {  	_ = 	snop  }
0x14b: {  	_ =	swait.ge [sflag:s20], $0x4000  }
0x14c: {  	[sflag:s20] =	ssyncset.done $0x0  }
0x14d: {  	[sflag:s20] =	ssyncadd.s32 $0xFFFFC000  }
.LBB2_10:
0x14e: {  	s0 =	sshrl.u32 s28, $0x2  }
0x14f: {  	s1 =	sadd.s32 $0x200, s0  }
0x150: {  	[tilespmem:s11], [sflag:$0x1] =	stream.indirect.gather [hbm4b:s4+s10], $0x40, s1, s10, $0xb8;
	[tilespmem:$0x17400] =	vst v63  }
.Ltmp7:
0x151: {  	s0 =	sadd.s32 $0x280, s0;
	(pc) =	sbr.rel @p0 .LBB2_12-.Ltmp7, $4  }
0x152: {  	[tilespmem:s12], [sflag:$0x1] =	stream.indirect.gather [hbm4b:s4+s10], $0x40, s0, s10, $0xb8;
	[tilespmem:$0x17400] =	vst v63  }
0x153: {  	_ =	swait.ge [sflag:s20], $0x4000  }
0x154: {  	[sflag:s20] =	ssyncset.done $0x0  }
0x155: {  	[sflag:s20] =	ssyncadd.s32 $0xFFFFC000  }
.LBB2_11:
0x156: {  	_ =	swait.ge [sflag:s21], $0x4000  }
0x157: {  	[sflag:s21] =	ssyncset.done $0x0  }
0x158: {  	[sflag:s21] =	ssyncadd.s32 $0xFFFFC000  }
.LBB2_12:
0x159: {  	s0 =	simm.s32 $0x0;
	s15 =	simm.s32 $0x1  }
0x15a: {  	s1 =	simm.s32 $0x2;
	s13 =	simm.s32 $0x3;
	v0 =	vmov s0;
	v2 =	vmov s15  }
0x15b: {  	v3 =	vmov s1;
	v33 =	vmov s13;
	s1 =	simm.s32 $0x4;
	s13 =	simm.s32 $0x5;
	s15 =	simm.s32 $0x6;
	v0 =	vshrl.u32 v0, $0x3  }
0x15c: {  	v34 =	vmov s1;
	v35 =	vmov s13;
	v36 =	vmov s15  }
0x15d: {  	s13 =	simm.s32 $0x7;
	v2 =	vshrl.u32 v2, $0x3;
	v3 =	vshrl.u32 v3, $0x3;
	v33 =	vshrl.u32 v33, $0x3  }
0x15e: {  	v0 =	vshll.u32 v0, v1;
	v37 =	vmov s13;
	v34 =	vshrl.u32 v34, $0x3  }
0x15f: {  	s30 =	simm.s32 $0xA5F0;
	v35 =	vshrl.u32 v35, $0x3;
	v36 =	vshrl.u32 v36, $0x3;
	v37 =	vshrl.u32 v37, $0x3  }
0x160: {  	v38 =	vld [tilespmem:s30+$0xFFFFFE10];
	v2 =	vshll.u32 v2, v1;
	v39 =	vbroadcast v0, $0x0;
	v37 =	vshll.u32 v37, v1  }
0x161: {  	v3 =	vshll.u32 v3, v1;
	v33 =	vshll.u32 v33, v1;
	v0 =	vld [tilespmem:s30+$0xFFFFFFD0];
	v41 =	vbroadcast v37, $0x0  }
0x162: {  	v42 =	vld [tilespmem:s30+$0xFFFFFE50];
	v34 =	vshll.u32 v34, v1;
	v12 =	vbroadcast v2, $0x0;
	v44 =	vadd.s32 v61, v39  }
0x163: {  	v45 =	vld [tilespmem:s30+$0xFFFFFE90];
	v43 =	vshll.u32 v35, v1;
	v37 =	vbroadcast v3, $0x0;
	v2 =	vadd.s32 v29, v41  }
0x164: {  	v47 =	vld [tilespmem:s30+$0xFFFFFED0];
	v3 =	vshll.u32 v36, v1;
	v46 =	vadd.s32 v4, v12;
	v36 =	vbroadcast v33, $0x0  }
0x165: {  	v49 =	vld [tilespmem:s30+$0xFFFFFF10];
	v35 =	vbroadcast v34, $0x0;
	v38 =	vmul.f32 $8.000000000e+00, v38;
	v48 =	vadd.s32 v9, v37  }
0x166: {  	v51 =	vld [tilespmem:s30+$0xFFFFFF50];
	v33 =	vbroadcast v43, $0x0;
	v50 =	vadd.s32 v13, v36;
	v0 =	vmul.f32 $8.000000000e+00, v0  }
0x167: {  	v52 =	vld [tilespmem:s30+$0xFFFFFF90];
	v42 =	vmul.f32 $8.000000000e+00, v42;
	v59 =	vadd.s32 v17, v35;
	v34 =	vbroadcast v3, $0x0;
	[tilespmem:v44+s22+$0x0] =	vst.idx.msk $0xffff, v38  }
0x168: {  	v3 =	vadd.s32 v21, v33;
	v44 =	vld [tilespmem:s30+$0xFFFFFE20];
	[tilespmem:v2+s22+$0x0] =	vst.idx.msk $0xffff, v0;
	v2 =	vmul.f32 $8.000000000e+00, v45  }
0x169: {  	v60 =	vmul.f32 $8.000000000e+00, v47;
	v62 =	vadd.s32 v25, v34;
	[tilespmem:v46+s22+$0x0] =	vst.idx.msk $0xffff, v42;
	v38 =	vld [tilespmem:s30+$0xFFFFFFE0]  }
0x16a: {  	v53 =	vadd.s32 v58, v39;
	v32 =	vld [tilespmem:s30+$0xFFFFFE60];
	[tilespmem:v48+s22+$0x0] =	vst.idx.msk $0xffff, v2;
	v2 =	vmul.f32 $8.000000000e+00, v49  }
0x16b: {  	[tilespmem:v50+s22+$0x0] =	vst.idx.msk $0xffff, v60;
	v60 =	vmul.f32 $8.000000000e+00, v51;
	v48 =	vadd.s32 v30, v41;
	v54 =	vld [tilespmem:s30+$0xFFFFFEA0]  }
0x16c: {  	v51 =	vadd.s32 v5, v12;
	v55 =	vld [tilespmem:s30+$0xFFFFFEE0];
	[tilespmem:v59+s22+$0x0] =	vst.idx.msk $0xffff, v2;
	v2 =	vmul.f32 $8.000000000e+00, v52  }
0x16d: {  	[tilespmem:v3+s22+$0x0] =	vst.idx.msk $0xffff, v60;
	v52 =	vadd.s32 v10, v37;
	v42 =	vmul.f32 $8.000000000e+00, v44;
	v56 =	vld [tilespmem:s30+$0xFFFFFF20]  }
0x16e: {  	v57 =	vld [tilespmem:s30+$0xFFFFFF60];
	v44 =	vadd.s32 v14, v36;
	v3 =	vmul.f32 $8.000000000e+00, v38;
	[tilespmem:v62+s22+$0x0] =	vst.idx.msk $0xffff, v2  }
0x16f: {  	v62 =	vmul.f32 $8.000000000e+00, v32;
	v32 =	vadd.s32 v18, v35;
	[tilespmem:v53+s22+$0x0] =	vst.idx.msk $0xffff, v42  }
0x170: {  	v42 =	vadd.s32 v22, v33;
	[tilespmem:v48+s22+$0x0] =	vst.idx.msk $0xffff, v3;
	v3 =	vmul.f32 $8.000000000e+00, v54  }
0x171: {  	s15 =	simm.s32 $0x8;
	v60 =	vld [tilespmem:s30+$0xFFFFFFA0];
	[tilespmem:v51+s22+$0x0] =	vst.idx.msk $0xffff, v62;
	v62 =	vmul.f32 $8.000000000e+00, v55  }
0x172: {  	v0 =	vmov s15;
	s15 =	simm.s32 $0xB;
	v53 =	vld [tilespmem:s30+$0xFFFFFE30];
	[tilespmem:v52+s22+$0x0] =	vst.idx.msk $0xffff, v3;
	v3 =	vmul.f32 $8.000000000e+00, v56  }
0x173: {  	v50 =	vmov s15;
	v51 =	vadd.s32 v26, v34;
	v48 =	vld [tilespmem:s30+$0xFFFFFFF0];
	[tilespmem:v44+s22+$0x0] =	vst.idx.msk $0xffff, v62;
	v44 =	vmul.f32 $8.000000000e+00, v57  }
0x174: {  	v59 =	vshrl.u32 v50, $0x3;
	v50 =	vadd.s32 v6, v39;
	[tilespmem:v32+s22+$0x0] =	vst.idx.msk $0xffff, v3  }
0x175: {  	v11 =	vmovc v10;
	s15 =	simm.s32 $0xE;
	v10 =	vmov v9;
	v9 =	vmov v4;
	v52 =	vadd.s32 v31, v41;
	v4 =	vld [tilespmem:$0x1FF00];
	[tilespmem:v42+s22+$0x0] =	vst.idx.msk $0xffff, v44  }
0x176: {  	v19 =	vmovc v18;
	v2 =	vmov s15;
	v18 =	vmov v5;
	v3 =	vmul.f32 $8.000000000e+00, v60;
	v5 =	vld [tilespmem:$0x1FF10]  }
0x177: {  	v54 =	vld [tilespmem:s30+$0xFFFFFE70];
	v42 =	vshrl.u32 v2, $0x3;
	v2 =	vmul.f32 $8.000000000e+00, v53  }
0x178: {  	v55 =	vld [tilespmem:s30+$0xFFFFFEB0];
	v56 =	vmul.f32 $8.000000000e+00, v48;
	[tilespmem:v51+s22+$0x0] =	vst.idx.msk $0xffff, v3  }
0x179: {  	s13 =	simm.s32 $0xA;
	v3 =	vld [tilespmem:$0x1FF20];
	[tilespmem:v50+s22+$0x0] =	vst.idx.msk $0xffff, v2  }
0x17a: {  	v45 =	vadd.s32 v63, v12;
	v49 =	vmov s13;
	s13 =	simm.s32 $0xD;
	v57 =	vld [tilespmem:s30+$0xFFFFFEF0];
	[tilespmem:v52+s22+$0x0] =	vst.idx.msk $0xffff, v56  }
0x17b: {  	v0 =	vshrl.u32 v0, $0x3;
	v38 =	vmov s13;
	v62 =	vadd.s32 v5, v36;
	v5 =	vld [tilespmem:$0x1FF40]  }
0x17c: {  	v7 =	vmov v58;
	v0 =	vshll.u32 v0, v1;
	v58 =	vshrl.u32 v38, $0x3;
	v32 =	vld [tilespmem:s30+$0xFFFFFF30]  }
0x17d: {  	v24 =	vmovc v63;
	v38 =	vbroadcast v0, $0x0;
	v63 =	vld [tilespmem:s30+$0xFFFFFF70];
	v0 =	vmul.f32 $8.000000000e+00, v54;
	v60 =	vadd.s32 v4, v37  }
0x17e: {  	v40 =	vld [tilespmem:s30+$0xFFFFFFB0]  }
0x17f: {  	v50 =	vld [tilespmem:s30+$0xFFFFFE40];
	[tilespmem:v45+s22+$0x0] =	vst.idx.msk $0xffff, v0  }
0x180: {  	v2 =	vmul.f32 $8.000000000e+00, v55;
	v55 =	vadd.s32 v5, v33;
	v5 =	vld [tilespmem:$0x1FF60]  }
0x181: {  	v56 =	vld [tilespmem:s30+$0x0]  }
0x182: {  	v3 =	vadd.s32 v3, v35;
	v52 =	vld [tilespmem:s30+$0xFFFFFE80];
	[tilespmem:v60+s22+$0x0] =	vst.idx.msk $0xffff, v2  }
0x183: {  	v23 =	vmov v6;
	v49 =	vshrl.u32 v49, $0x3;
	v0 =	vmul.f32 $8.000000000e+00, v57;
	v6 =	vld [tilespmem:$0x1FF90]  }
0x184: {  	v44 =	vshll.u32 v49, v1;
	v49 =	vld [tilespmem:s30+$0xFFFFFEC0]  }
0x185: {  	v2 =	vmul.f32 $8.000000000e+00, v32;
	v27 =	vmov v5;
	v51 =	vadd.s32 v5, v34;
	v5 =	vld [tilespmem:$0x1FF80];
	[tilespmem:v62+s22+$0x0] =	vst.idx.msk $0xffff, v0  }
0x186: {  	s1 =	simm.s32 $0x9;
	v0 =	vld [tilespmem:$0x1FFA0]  }
0x187: {  	v46 =	vmov s1;
	s1 =	simm.s32 $0xC;
	v54 =	vld [tilespmem:s30+$0xFFFFFF00];
	[tilespmem:v3+s22+$0x0] =	vst.idx.msk $0xffff, v2  }
0x188: {  	v43 =	vmov s1;
	v46 =	vshrl.u32 v46, $0x3;
	v28 =	vld [tilespmem:$0x1FF30]  }
0x189: {  	v43 =	vshrl.u32 v43, $0x3;
	v47 =	vshll.u32 v46, v1;
	v15 =	vld [tilespmem:$0x1FF70]  }
0x18a: {  	v46 =	vshll.u32 v43, v1;
	v43 =	vshll.u32 v58, v1;
	v45 =	vshll.u32 v59, v1;
	v16 =	vld [tilespmem:$0x1FFB0]  }
0x18b: {  	v4 =	vmovc v61;
	v40 =	vmul.f32 $8.000000000e+00, v40;
	v48 =	vadd.s32 v6, v39;
	v39 =	vmul.f32 $8.000000000e+00, v63;
	v20 =	vld [tilespmem:$0x1FFC0]  }
0x18c: {  	s31 =	simm.s32 $0x10;
	s1 =	simm.s32 $0xF;
	v6 =	vmovc v4;
	v32 =	vmovc v5;
	v53 =	vadd.s32 v5, v41;
	v8 =	vmov v0;
	v41 =	vadd.s32 v0, v12;
	v12 =	vld [tilespmem:$0x1FF50]  }
.LBB2_13:
0x18d: {  	_ =	sdelay $0x1  }
0x18e: {  	v0 =	vmov s1;
	v2 =	vadd.s32 v16, v37;
	v3 =	vld [tilespmem:s30+$0xFFFFFF40];
	[tilespmem:v55+s22+$0x0] =	vst.idx.msk $0xffff, v39;
	v63 =	vmul.f32 $8.000000000e+00, v56  }
0x18f: {  	v36 =	vadd.s32 v20, v36;
	v0 =	vshrl.u32 v0, $0x3;
	[tilespmem:v51+s22+$0x0] =	vst.idx.msk $0xffff, v40;
	v56 =	vmul.f32 $8.000000000e+00, v50  }
0x190: {  	v35 =	vadd.s32 v28, v35;
	v0 =	vshll.u32 v0, v1;
	v59 =	vld [tilespmem:s30+$0xFFFFFFC0];
	v58 =	vmul.f32 $8.000000000e+00, v52;
	[tilespmem:v53+s22+$0x0] =	vst.idx.msk $0xffff, v63  }
0x191: {  	v57 =	vld [tilespmem:s30+$0xFFFFFF80];
	s30 =	sadd.s32 $0x200, s30;
	v40 =	vbroadcast v0, $0x0;
	v0 =	vmul.f32 $8.000000000e+00, v49;
	[tilespmem:v48+s22+$0x0] =	vst.idx.msk $0xffff, v56  }
0x192: {  	v34 =	vadd.s32 v15, v34;
	v39 =	vmov v38;
	v61 =	vmul.f32 $8.000000000e+00, v54;
	[tilespmem:v41+s22+$0x0] =	vst.idx.msk $0xffff, v58;
	v38 =	vld [tilespmem:s30+$0xFFFFFE10]  }
0x193: {  	v33 =	vadd.s32 v12, v33;
	[tilespmem:v2+s22+$0x0] =	vst.idx.msk $0xffff, v0;
	v0 =	vmul.f32 $8.000000000e+00, v3;
	v53 =	vld [tilespmem:s30+$0xFFFFFFD0]  }
0x194: {  	v37 =	vbroadcast v44, $0x0;
	v41 =	vbroadcast v47, $0x0;
	v2 =	vadd.s32 v6, v39;
	[tilespmem:v36+s22+$0x0] =	vst.idx.msk $0xffff, v61;
	v3 =	vld [tilespmem:s30+$0xFFFFFE90]  }
0x195: {  	v63 =	vadd.s32 v29, v40;
	v36 =	vbroadcast v45, $0x0;
	v62 =	vld [tilespmem:s30+$0xFFFFFE50];
	[tilespmem:v35+s22+$0x0] =	vst.idx.msk $0xffff, v0;
	v0 =	vmul.f32 $8.000000000e+00, v59  }
0x196: {  	v45 =	vadd.s32 v10, v37;
	v60 =	vmul.f32 $8.000000000e+00, v57;
	v35 =	vbroadcast v46, $0x0;
	v51 =	vld [tilespmem:s30+$0xFFFFFF10]  }
0x197: {  	v42 =	vshll.u32 v42, v1;
	v61 =	vld [tilespmem:s30+$0xFFFFFED0];
	v48 =	vadd.s32 v9, v41;
	[tilespmem:v34+s22+$0x0] =	vst.idx.msk $0xffff, v0;
	v38 =	vmul.f32 $8.000000000e+00, v38  }
0x198: {  	[tilespmem:v33+s22+$0x0] =	vst.idx.msk $0xffff, v60;
	v58 =	vadd.s32 v17, v35;
	v34 =	vbroadcast v42, $0x0;
	v59 =	vld [tilespmem:s30+$0xFFFFFF90];
	v56 =	vmul.f32 $8.000000000e+00, v53  }
0x199: {  	v44 =	vadd.s32 v13, v36;
	[tilespmem:v2+s22+$0x0] =	vst.idx.msk $0xffff, v38;
	v2 =	vmul.f32 $8.000000000e+00, v3  }
0x19a: {  	v33 =	vbroadcast v43, $0x0;
	v57 =	vld [tilespmem:s30+$0xFFFFFF50];
	v0 =	vmul.f32 $8.000000000e+00, v62;
	v47 =	vadd.s32 v25, v34;
	[tilespmem:v63+s22+$0x0] =	vst.idx.msk $0xffff, v56  }
0x19b: {  	v4 =	vld [tilespmem:$0x1FF00];
	[tilespmem:v45+s22+$0x0] =	vst.idx.msk $0xffff, v2;
	v2 =	vmul.f32 $8.000000000e+00, v51  }
0x19c: {  	v3 =	vadd.s32 v21, v33;
	[tilespmem:v48+s22+$0x0] =	vst.idx.msk $0xffff, v0;
	v0 =	vmul.f32 $8.000000000e+00, v61;
	v63 =	vld [tilespmem:s30+$0xFFFFFFE0]  }
0x19d: {  	v60 =	vld [tilespmem:s30+$0xFFFFFE20];
	[tilespmem:v58+s22+$0x0] =	vst.idx.msk $0xffff, v2;
	v2 =	vmul.f32 $8.000000000e+00, v59  }
0x19e: {  	v45 =	vadd.s32 v30, v40;
	[tilespmem:v44+s22+$0x0] =	vst.idx.msk $0xffff, v0;
	v56 =	vld [tilespmem:s30+$0xFFFFFF20]  }
0x19f: {  	v53 =	vadd.s32 v7, v39;
	v61 =	vld [tilespmem:s30+$0xFFFFFE60];
	v0 =	vmul.f32 $8.000000000e+00, v57;
	[tilespmem:v47+s22+$0x0] =	vst.idx.msk $0xffff, v2  }
0x1a0: {  	v50 =	vadd.s32 v19, v35;
	v62 =	vmov s31;
	v58 =	vld [tilespmem:s30+$0xFFFFFFA0]  }
0x1a1: {  	v52 =	vadd.s32 v18, v41;
	v42 =	vshrl.u32 v62, $0x3;
	v62 =	vld [tilespmem:s30+$0xFFFFFEA0];
	[tilespmem:v3+s22+$0x0] =	vst.idx.msk $0xffff, v0;
	v0 =	vmul.f32 $8.000000000e+00, v63  }
0x1a2: {  	v55 =	vld [tilespmem:s30+$0xFFFFFEE0];
	v63 =	vmul.f32 $8.000000000e+00, v60  }
0x1a3: {  	v49 =	vadd.s32 v11, v37;
	v57 =	vld [tilespmem:s30+$0xFFFFFF60];
	[tilespmem:v45+s22+$0x0] =	vst.idx.msk $0xffff, v0;
	v38 =	vmul.f32 $8.000000000e+00, v56  }
0x1a4: {  	v61 =	vmul.f32 $8.000000000e+00, v61;
	[tilespmem:v53+s22+$0x0] =	vst.idx.msk $0xffff, v63;
	v45 =	vld [tilespmem:s30+$0xFFFFFFF0]  }
0x1a5: {  	v60 =	vadd.s32 v14, v36;
	[tilespmem:v50+s22+$0x0] =	vst.idx.msk $0xffff, v38;
	v50 =	vmul.f32 $8.000000000e+00, v58;
	v58 =	vadd.s32 v4, v37;
	v4 =	vld [tilespmem:$0x1FF10]  }
0x1a6: {  	s1 =	sadd.s32 $0x4, s31;
	v62 =	vmul.f32 $8.000000000e+00, v62;
	[tilespmem:v52+s22+$0x0] =	vst.idx.msk $0xffff, v61;
	v53 =	vld [tilespmem:s30+$0xFFFFFE30]  }
0x1a7: {  	s0 =	sadd.s32 $0x1, s31;
	v43 =	vmov s1;
	v0 =	vshll.u32 v42, v1;
	v42 =	vadd.s32 v22, v33;
	v54 =	vld [tilespmem:s30+$0xFFFFFE70]  }
0x1a8: {  	s15 =	sadd.s32 $0x3, s31;
	v48 =	vmov s0;
	v63 =	vmul.f32 $8.000000000e+00, v55;
	v52 =	vadd.s32 v26, v34;
	[tilespmem:v49+s22+$0x0] =	vst.idx.msk $0xffff, v62;
	v56 =	vld [tilespmem:$0x1FF40]  }
0x1a9: {  	v43 =	vshrl.u32 v43, $0x3;
	v48 =	vshrl.u32 v48, $0x3;
	v44 =	vmov s15;
	v55 =	vld [tilespmem:s30+$0xFFFFFEB0]  }
0x1aa: {  	s13 =	sadd.s32 $0x2, s31;
	v49 =	vadd.s32 v31, v40;
	[tilespmem:v60+s22+$0x0] =	vst.idx.msk $0xffff, v63;
	v46 =	vmul.f32 $8.000000000e+00, v57;
	v62 =	vadd.s32 v4, v36;
	v4 =	vld [tilespmem:$0x1FF20]  }
0x1ab: {  	v51 =	vmov s13;
	s13 =	sadd.s32 $0x5, s31;
	v59 =	vshrl.u32 v44, $0x3;
	v44 =	vadd.s32 v23, v39;
	v60 =	vld [tilespmem:s30+$0xFFFFFEF0]  }
0x1ac: {  	s15 =	sadd.s32 $0x6, s31;
	v51 =	vshrl.u32 v51, $0x3;
	v3 =	vmov s13;
	v57 =	vadd.s32 v24, v41;
	v61 =	vld [tilespmem:s30+$0xFFFFFF30];
	[tilespmem:v42+s22+$0x0] =	vst.idx.msk $0xffff, v46  }
0x1ad: {  	v2 =	vmov s15;
	v3 =	vshrl.u32 v3, $0x3;
	v45 =	vmul.f32 $8.000000000e+00, v45;
	v63 =	vld [tilespmem:s30+$0xFFFFFF70];
	[tilespmem:v52+s22+$0x0] =	vst.idx.msk $0xffff, v50  }
0x1ae: {  	v38 =	vbroadcast v0, $0x0;
	v42 =	vshrl.u32 v2, $0x3;
	v2 =	vmul.f32 $8.000000000e+00, v53;
	v5 =	vld [tilespmem:s30+$0xFFFFFFB0]  }
0x1af: {  	p0 =	slt.u32 s31, $0x78;
	v0 =	vmul.f32 $8.000000000e+00, v54;
	[tilespmem:v49+s22+$0x0] =	vst.idx.msk $0xffff, v45;
	v45 =	vshll.u32 v59, v1;
	v59 =	vld [tilespmem:$0x1FF90];
	v4 =	vadd.s32 v4, v35  }
.Ltmp8:
0x1b0: {  	v47 =	vshll.u32 v48, v1;
	[tilespmem:v44+s22+$0x0] =	vst.idx.msk $0xffff, v2;
	v2 =	vmul.f32 $8.000000000e+00, v55;
	v55 =	vadd.s32 v56, v33;
	v56 =	vld [tilespmem:s30+$0x0];
	(pc) =	sbr.rel @p0 .LBB2_13-.Ltmp8, $4  }
0x1b1: {  	v41 =	vadd.s32 v8, v41;
	v46 =	vshll.u32 v43, v1;
	[tilespmem:v57+s22+$0x0] =	vst.idx.msk $0xffff, v0;
	v50 =	vld [tilespmem:s30+$0xFFFFFE40];
	v0 =	vmul.f32 $8.000000000e+00, v60  }
0x1b2: {  	v43 =	vshll.u32 v3, v1;
	v53 =	vadd.s32 v32, v40;
	v52 =	vld [tilespmem:s30+$0xFFFFFE80];
	[tilespmem:v58+s22+$0x0] =	vst.idx.msk $0xffff, v2;
	v2 =	vmul.f32 $8.000000000e+00, v61  }
0x1b3: {  	v44 =	vshll.u32 v51, v1;
	v51 =	vadd.s32 v27, v34;
	v49 =	vld [tilespmem:s30+$0xFFFFFEC0];
	[tilespmem:v62+s22+$0x0] =	vst.idx.msk $0xffff, v0  }
0x1b4: {  	s1 =	sadd.s32 $0x7, s31;
	s31 =	sadd.s32 $0x8, s31;
	v40 =	vmul.f32 $8.000000000e+00, v5;
	v48 =	vadd.s32 v59, v39;
	v39 =	vmul.f32 $8.000000000e+00, v63;
	v54 =	vld [tilespmem:s30+$0xFFFFFF00];
	[tilespmem:v4+s22+$0x0] =	vst.idx.msk $0xffff, v2  }
0x1b5: {  	_ =	sdelay $0x3  }
0x1b6: {  	v0 =	vmov s1;
	v2 =	vadd.s32 v16, v37;
	v3 =	vld [tilespmem:s30+$0xFFFFFF40];
	v4 =	vmul.f32 $8.000000000e+00, v56;
	[tilespmem:v55+s22+$0x0] =	vst.idx.msk $0xffff, v39  }
0x1b7: {  	v36 =	vadd.s32 v20, v36;
	v0 =	vshrl.u32 v0, $0x3;
	v5 =	vmul.f32 $8.000000000e+00, v50;
	[tilespmem:v51+s22+$0x0] =	vst.idx.msk $0xffff, v40;
	v61 =	vld [tilespmem:s30+$0xFFFFFF80]  }
0x1b8: {  	v35 =	vadd.s32 v28, v35;
	s13 =	sadd.s32 $0x200, s30;
	v0 =	vshll.u32 v0, v1;
	v62 =	vmul.f32 $8.000000000e+00, v52;
	v40 =	vld [tilespmem:s30+$0xFFFFFFC0];
	[tilespmem:v53+s22+$0x0] =	vst.idx.msk $0xffff, v4  }
0x1b9: {  	v33 =	vadd.s32 v12, v33;
	v4 =	vld [tilespmem:s13+$0xFFFFFFD0];
	v0 =	vbroadcast v0, $0x0;
	[tilespmem:v48+s22+$0x0] =	vst.idx.msk $0xffff, v5;
	v5 =	vmul.f32 $8.000000000e+00, v49  }
0x1ba: {  	v42 =	vshll.u32 v42, v1;
	v34 =	vadd.s32 v15, v34;
	v63 =	vld [tilespmem:s13+$0xFFFFFE10];
	[tilespmem:v41+s22+$0x0] =	vst.idx.msk $0xffff, v62;
	v52 =	vmul.f32 $8.000000000e+00, v54  }
0x1bb: {  	v47 =	vbroadcast v47, $0x0;
	v53 =	vld [tilespmem:s13+$0xFFFFFE50];
	v49 =	vadd.s32 v29, v0;
	[tilespmem:v2+s22+$0x0] =	vst.idx.msk $0xffff, v5;
	v2 =	vmul.f32 $8.000000000e+00, v3  }
0x1bc: {  	v44 =	vbroadcast v44, $0x0;
	v3 =	vadd.s32 v6, v38;
	v5 =	vld [tilespmem:s13+$0xFFFFFE90];
	[tilespmem:v36+s22+$0x0] =	vst.idx.msk $0xffff, v52;
	v51 =	vmul.f32 $8.000000000e+00, v61  }
0x1bd: {  	v45 =	vbroadcast v45, $0x0;
	v39 =	vld [tilespmem:s13+$0xFFFFFED0];
	v37 =	vadd.s32 v9, v47;
	[tilespmem:v35+s22+$0x0] =	vst.idx.msk $0xffff, v2;
	v2 =	vmul.f32 $8.000000000e+00, v40  }
0x1be: {  	v46 =	vbroadcast v46, $0x0;
	v60 =	vld [tilespmem:s13+$0xFFFFFF10];
	v52 =	vadd.s32 v10, v44;
	v4 =	vmul.f32 $8.000000000e+00, v4;
	[tilespmem:v33+s22+$0x0] =	vst.idx.msk $0xffff, v51  }
0x1bf: {  	v43 =	vbroadcast v43, $0x0;
	v62 =	vadd.s32 v13, v45;
	v61 =	vmul.f32 $8.000000000e+00, v63;
	v63 =	vld [tilespmem:s13+$0xFFFFFF50];
	[tilespmem:v34+s22+$0x0] =	vst.idx.msk $0xffff, v2  }
0x1c0: {  	v42 =	vbroadcast v42, $0x0;
	v54 =	vld [tilespmem:s13+$0xFFFFFF90];
	v2 =	vmul.f32 $8.000000000e+00, v53;
	v53 =	vadd.s32 v17, v46;
	[tilespmem:v49+s22+$0x0] =	vst.idx.msk $0xffff, v4  }
0x1c1: {  	[tilespmem:v3+s22+$0x0] =	vst.idx.msk $0xffff, v61;
	v3 =	vmul.f32 $8.000000000e+00, v5;
	v4 =	vadd.s32 v21, v43;
	v5 =	vld [tilespmem:s13+$0xFFFFFFE0]  }
0x1c2: {  	v55 =	vadd.s32 v25, v42;
	v33 =	vld [tilespmem:s13+$0xFFFFFE20];
	[tilespmem:v37+s22+$0x0] =	vst.idx.msk $0xffff, v2;
	v2 =	vmul.f32 $8.000000000e+00, v39  }
0x1c3: {  	v35 =	vadd.s32 v30, v0;
	v57 =	vld [tilespmem:s13+$0xFFFFFE60];
	[tilespmem:v52+s22+$0x0] =	vst.idx.msk $0xffff, v3;
	v3 =	vmul.f32 $8.000000000e+00, v60  }
0x1c4: {  	v40 =	vadd.s32 v7, v38;
	v52 =	vld [tilespmem:s13+$0xFFFFFEA0];
	[tilespmem:v62+s22+$0x0] =	vst.idx.msk $0xffff, v2;
	v2 =	vmul.f32 $8.000000000e+00, v63  }
0x1c5: {  	v61 =	vadd.s32 v18, v47;
	v62 =	vld [tilespmem:s13+$0xFFFFFEE0];
	[tilespmem:v53+s22+$0x0] =	vst.idx.msk $0xffff, v3;
	v3 =	vmul.f32 $8.000000000e+00, v54  }
0x1c6: {  	v63 =	vadd.s32 v11, v44;
	v53 =	vld [tilespmem:s13+$0xFFFFFF20];
	[tilespmem:v4+s22+$0x0] =	vst.idx.msk $0xffff, v2;
	v2 =	vmul.f32 $8.000000000e+00, v5  }
0x1c7: {  	v4 =	vmul.f32 $8.000000000e+00, v33;
	v5 =	vadd.s32 v14, v45;
	v54 =	vld [tilespmem:s13+$0xFFFFFF60];
	[tilespmem:v55+s22+$0x0] =	vst.idx.msk $0xffff, v3  }
0x1c8: {  	v55 =	vadd.s32 v19, v46;
	v3 =	vmul.f32 $8.000000000e+00, v57;
	v57 =	vld [tilespmem:s13+$0xFFFFFFA0];
	[tilespmem:v35+s22+$0x0] =	vst.idx.msk $0xffff, v2  }
0x1c9: {  	[tilespmem:v40+s22+$0x0] =	vst.idx.msk $0xffff, v4;
	v2 =	vmul.f32 $8.000000000e+00, v52;
	v4 =	vadd.s32 v22, v43  }
0x1ca: {  	v36 =	vadd.s32 v26, v42;
	[tilespmem:v61+s22+$0x0] =	vst.idx.msk $0xffff, v3;
	v3 =	vmul.f32 $8.000000000e+00, v62  }
0x1cb: {  	v35 =	vld [tilespmem:s13+$0xFFFFFFF0];
	[tilespmem:v63+s22+$0x0] =	vst.idx.msk $0xffff, v2;
	v2 =	vmul.f32 $8.000000000e+00, v53  }
0x1cc: {  	v40 =	vld [tilespmem:s13+$0xFFFFFE30];
	[tilespmem:v5+s22+$0x0] =	vst.idx.msk $0xffff, v3;
	v3 =	vmul.f32 $8.000000000e+00, v54  }
0x1cd: {  	v52 =	vld [tilespmem:s13+$0xFFFFFE70];
	[tilespmem:v55+s22+$0x0] =	vst.idx.msk $0xffff, v2;
	v2 =	vmul.f32 $8.000000000e+00, v57  }
0x1ce: {  	v58 =	vmov v9;
	v9 =	vmov v10;
	v10 =	vmov v11;
	v11 =	vld [tilespmem:$0x1FF00];
	[tilespmem:v4+s22+$0x0] =	vst.idx.msk $0xffff, v3  }
0x1cf: {  	v16 =	vmov v15;
	v34 =	vadd.s32 v31, v0;
	v15 =	vld [tilespmem:$0x1FF10];
	[tilespmem:v36+s22+$0x0] =	vst.idx.msk $0xffff, v2  }
0x1d0: {  	v41 =	vadd.s32 v23, v38;
	v60 =	vmov v18;
	v18 =	vmov v19;
	v19 =	vld [tilespmem:$0x1FF20]  }
0x1d1: {  	v49 =	vld [tilespmem:s13+$0xFFFFFEB0]  }
0x1d2: {  	v5 =	vadd.s32 v24, v47;
	v53 =	vld [tilespmem:s13+$0xFFFFFEF0];
	v3 =	vmul.f32 $8.000000000e+00, v35  }
0x1d3: {  	v55 =	vld [tilespmem:s13+$0xFFFFFF30];
	v4 =	vmul.f32 $8.000000000e+00, v40;
	v54 =	vadd.s32 v11, v44  }
0x1d4: {  	[tilespmem:v34+s22+$0x0] =	vst.idx.msk $0xffff, v3;
	v57 =	vadd.s32 v15, v45  }
0x1d5: {  	v2 =	vmul.f32 $8.000000000e+00, v52;
	[tilespmem:v41+s22+$0x0] =	vst.idx.msk $0xffff, v4;
	v63 =	vadd.s32 v19, v46  }
0x1d6: {  	v62 =	vmov v23;
	v3 =	vmul.f32 $8.000000000e+00, v49;
	v23 =	vld [tilespmem:$0x1FF40]  }
0x1d7: {  	[tilespmem:v5+s22+$0x0] =	vst.idx.msk $0xffff, v2;
	v2 =	vmul.f32 $8.000000000e+00, v53  }
0x1d8: {  	v61 =	vld [tilespmem:s13+$0xFFFFFF70];
	[tilespmem:v54+s22+$0x0] =	vst.idx.msk $0xffff, v3;
	v3 =	vmul.f32 $8.000000000e+00, v55  }
0x1d9: {  	v52 =	vld [tilespmem:s13+$0xFFFFFFB0];
	[tilespmem:v57+s22+$0x0] =	vst.idx.msk $0xffff, v2  }
0x1da: {  	v34 =	vld [tilespmem:s13+$0x0];
	[tilespmem:v63+s22+$0x0] =	vst.idx.msk $0xffff, v3  }
0x1db: {  	v50 =	vmovc v20;
	v20 =	vmov v28;
	v28 =	vmov v12;
	v4 =	vadd.s32 v23, v43;
	v12 =	vld [tilespmem:$0x1FFB0]  }
0x1dc: {  	v41 =	vld [tilespmem:s13+$0xFFFFFE40];
	v5 =	vadd.s32 v27, v42  }
0x1dd: {  	v0 =	vadd.s32 v32, v0;
	v53 =	vld [tilespmem:s13+$0xFFFFFE80]  }
0x1de: {  	v54 =	vadd.s32 v59, v38;
	v55 =	vld [tilespmem:s13+$0xFFFFFEC0];
	v2 =	vmul.f32 $8.000000000e+00, v61  }
0x1df: {  	v57 =	vadd.s32 v8, v47;
	v61 =	vld [tilespmem:s13+$0xFFFFFF00];
	v3 =	vmul.f32 $8.000000000e+00, v52  }
0x1e0: {  	[tilespmem:v4+s22+$0x0] =	vst.idx.msk $0xffff, v2;
	v2 =	vmul.f32 $8.000000000e+00, v34;
	v63 =	vadd.s32 v12, v44;
	v44 =	vld [tilespmem:s13+$0xFFFFFF40]  }
0x1e1: {  	v47 =	vadd.s32 v50, v45;
	v4 =	vmul.f32 $8.000000000e+00, v41;
	[tilespmem:v5+s22+$0x0] =	vst.idx.msk $0xffff, v3;
	v48 =	vld [tilespmem:s13+$0xFFFFFF80]  }
0x1e2: {  	v3 =	vmul.f32 $8.000000000e+00, v53;
	v5 =	vadd.s32 v20, v46;
	v49 =	vld [tilespmem:s13+$0xFFFFFFC0];
	[tilespmem:v0+s22+$0x0] =	vst.idx.msk $0xffff, v2  }
0x1e3: {  	[tilespmem:v54+s22+$0x0] =	vst.idx.msk $0xffff, v4;
	v0 =	vmul.f32 $8.000000000e+00, v55;
	v2 =	vadd.s32 v28, v43  }
0x1e4: {  	[tilespmem:v57+s22+$0x0] =	vst.idx.msk $0xffff, v3;
	v4 =	vadd.s32 v16, v42;
	v3 =	vmul.f32 $8.000000000e+00, v61  }
0x1e5: {  	[tilespmem:v63+s22+$0x0] =	vst.idx.msk $0xffff, v0;
	v0 =	vmul.f32 $8.000000000e+00, v44  }
0x1e6: {  	s0 =	simm.s32 $0x0;
	[tilespmem:v47+s22+$0x0] =	vst.idx.msk $0xffff, v3;
	v3 =	vmul.f32 $8.000000000e+00, v48  }
0x1e7: {  	[tilespmem:v5+s22+$0x0] =	vst.idx.msk $0xffff, v0;
	v0 =	vmul.f32 $8.000000000e+00, v49;
	v5 =	vmov s0  }
0x1e8: {  	[tilespmem:v2+s22+$0x0] =	vst.idx.msk $0xffff, v3;
	v2 =	vshrl.u32 v5, $0x3  }
0x1e9: {  	s15 =	simm.s32 $0xC400;
	[tilespmem:v4+s22+$0x0] =	vst.idx.msk $0xffff, v0;
	v0 =	vshll.u32 v2, $0x3  }
0x1ea: {  	v2 =	vld [tilespmem:s15+$0x80];
	v38 =	vbroadcast v0, $0x0;
	_ =	sdelay $0x1  }
0x1eb: {  	v0 =	vld [tilespmem:s15+$0x100];
	v3 =	vadd.s32 v9, v38  }
0x1ec: {  	v4 =	vld [tilespmem:s15+$0x0]  }
0x1ed: {  	v56 =	vmov v13;
	v13 =	vmov v50;
	v50 =	vld [tilespmem:s15+$0xC0]  }
0x1ee: {  	v34 =	vld [tilespmem:s15+$0x180];
	v5 =	vadd.s32 v17, v38;
	v2 =	vmul.f32 $8.000000000e+00, v2  }
0x1ef: {  	v37 =	vld [tilespmem:s15+$0x1C0];
	v51 =	vadd.s32 v6, v38  }
0x1f0: {  	v53 =	vld [tilespmem:s15+$0x40];
	v52 =	vadd.s32 v56, v38;
	[tilespmem:v3+s23+$0x0] =	vst.idx.msk $0xffff, v2  }
0x1f1: {  	v0 =	vmul.f32 $8.000000000e+00, v0;
	v2 =	vadd.s32 v25, v38;
	v3 =	vld [tilespmem:s15+$0x90]  }
0x1f2: {  	s30 =	simm.s32 $0xC600;
	v57 =	vld [tilespmem:s15+$0x140];
	v54 =	vadd.s32 v29, v38;
	v4 =	vmul.f32 $8.000000000e+00, v4  }
0x1f3: {  	v39 =	vld [tilespmem:s30+$0x40];
	[tilespmem:v5+s23+$0x0] =	vst.idx.msk $0xffff, v0;
	v0 =	vmul.f32 $8.000000000e+00, v50;
	v5 =	vadd.s32 v10, v38  }
0x1f4: {  	v61 =	vadd.s32 v58, v38;
	[tilespmem:v51+s23+$0x0] =	vst.idx.msk $0xffff, v4;
	v4 =	vmul.f32 $8.000000000e+00, v34;
	v55 =	vld [tilespmem:s15+$0x110]  }
0x1f5: {  	v40 =	vld [tilespmem:s30+$0x140];
	[tilespmem:v52+s23+$0x0] =	vst.idx.msk $0xffff, v0;
	v0 =	vmul.f32 $8.000000000e+00, v37  }
0x1f6: {  	v43 =	vld [tilespmem:s30+$0x100];
	v48 =	vadd.s32 v18, v38;
	[tilespmem:v2+s23+$0x0] =	vst.idx.msk $0xffff, v4;
	v2 =	vmul.f32 $8.000000000e+00, v3  }
0x1f7: {  	v63 =	vld [tilespmem:s15+$0x10];
	[tilespmem:v54+s23+$0x0] =	vst.idx.msk $0xffff, v0;
	v3 =	vmul.f32 $8.000000000e+00, v53  }
0x1f8: {  	v0 =	vld [tilespmem:s15+$0x1D0];
	[tilespmem:v5+s23+$0x0] =	vst.idx.msk $0xffff, v2  }
0x1f9: {  	v45 =	vld [tilespmem:s30+$0x80];
	v49 =	vadd.s32 v7, v38;
	v2 =	vmul.f32 $8.000000000e+00, v55;
	[tilespmem:v61+s23+$0x0] =	vst.idx.msk $0xffff, v3  }
0x1fa: {  	s31 =	simm.s32 $0x8;
	v54 =	vadd.s32 v30, v38;
	v5 =	vld [tilespmem:s15+$0x50]  }
0x1fb: {  	v50 =	vmov s31;
	v3 =	vld [tilespmem:s15+$0xA0];
	[tilespmem:v48+s23+$0x0] =	vst.idx.msk $0xffff, v2;
	v2 =	vadd.s32 v21, v38  }
0x1fc: {  	v51 =	vadd.s32 v60, v38;
	v33 =	vshrl.u32 v50, $0x3;
	v34 =	vmul.f32 $8.000000000e+00, v63;
	v35 =	vld [tilespmem:s15+$0x120]  }
0x1fd: {  	v33 =	vshll.u32 v33, $0x3;
	v36 =	vld [tilespmem:s15+$0xD0];
	v53 =	vadd.s32 v11, v38;
	v0 =	vmul.f32 $8.000000000e+00, v0  }
0x1fe: {  	v41 =	vmul.f32 $8.000000000e+00, v57;
	v52 =	vadd.s32 v19, v38;
	v33 =	vbroadcast v33, $0x0;
	v4 =	vld [tilespmem:s15+$0x190];
	[tilespmem:v49+s23+$0x0] =	vst.idx.msk $0xffff, v34  }
0x1ff: {  	v63 =	vld [tilespmem:s30+$0xC0];
	v55 =	vadd.s32 v14, v38;
	[tilespmem:v54+s23+$0x0] =	vst.idx.msk $0xffff, v0;
	v5 =	vmul.f32 $8.000000000e+00, v5  }
0x200: {  	v61 =	vadd.s32 v58, v33;
	v3 =	vmul.f32 $8.000000000e+00, v3;
	[tilespmem:v2+s23+$0x0] =	vst.idx.msk $0xffff, v41;
	v2 =	vld [tilespmem:s30+$0x0]  }
0x201: {  	v37 =	vadd.s32 v21, v33;
	v34 =	vld [tilespmem:s30+$0x180];
	v35 =	vmul.f32 $8.000000000e+00, v35;
	[tilespmem:v51+s23+$0x0] =	vst.idx.msk $0xffff, v5  }
0x202: {  	v57 =	vadd.s32 v6, v33;
	v5 =	vld [tilespmem:s15+$0x150];
	[tilespmem:v53+s23+$0x0] =	vst.idx.msk $0xffff, v3;
	v3 =	vmul.f32 $8.000000000e+00, v36  }
0x203: {  	v39 =	vmul.f32 $8.000000000e+00, v39;
	v0 =	vadd.s32 v9, v33;
	v41 =	vld [tilespmem:s30+$0x1C0];
	[tilespmem:v52+s23+$0x0] =	vst.idx.msk $0xffff, v35  }
0x204: {  	v51 =	vadd.s32 v22, v38;
	v44 =	vld [tilespmem:s15+$0x60];
	[tilespmem:v55+s23+$0x0] =	vst.idx.msk $0xffff, v3;
	v55 =	vmul.f32 $8.000000000e+00, v40  }
0x205: {  	[tilespmem:v61+s23+$0x0] =	vst.idx.msk $0xffff, v39;
	v52 =	vadd.s32 v26, v38;
	v46 =	vld [tilespmem:s15+$0x130];
	v2 =	vmul.f32 $8.000000000e+00, v2  }
0x206: {  	v53 =	vmul.f32 $8.000000000e+00, v45;
	v3 =	vadd.s32 v56, v33;
	[tilespmem:v37+s23+$0x0] =	vst.idx.msk $0xffff, v55;
	v37 =	vld [tilespmem:s15+$0x20]  }
0x207: {  	v54 =	vmul.f32 $8.000000000e+00, v63;
	v63 =	vadd.s32 v29, v33;
	v5 =	vmul.f32 $8.000000000e+00, v5;
	[tilespmem:v57+s23+$0x0] =	vst.idx.msk $0xffff, v2;
	v2 =	vld [tilespmem:s15+$0xE0]  }
0x208: {  	v4 =	vmul.f32 $8.000000000e+00, v4;
	v39 =	vadd.s32 v17, v33;
	[tilespmem:v0+s23+$0x0] =	vst.idx.msk $0xffff, v53;
	v57 =	vmul.f32 $8.000000000e+00, v43;
	v43 =	vld [tilespmem:s30+$0x50]  }
0x209: {  	v45 =	vadd.s32 v15, v38;
	[tilespmem:v51+s23+$0x0] =	vst.idx.msk $0xffff, v5;
	v5 =	vld [tilespmem:s15+$0x1E0]  }
0x20a: {  	v55 =	vmul.f32 $8.000000000e+00, v41;
	v47 =	vld [tilespmem:s30+$0x10];
	[tilespmem:v52+s23+$0x0] =	vst.idx.msk $0xffff, v4;
	v4 =	vadd.s32 v25, v33  }
0x20b: {  	v61 =	vadd.s32 v31, v38;
	[tilespmem:v3+s23+$0x0] =	vst.idx.msk $0xffff, v54;
	v3 =	vld [tilespmem:s15+$0xB0]  }
0x20c: {  	v53 =	vadd.s32 v7, v33;
	[tilespmem:v63+s23+$0x0] =	vst.idx.msk $0xffff, v55;
	v52 =	vld [tilespmem:s30+$0x90];
	v2 =	vmul.f32 $8.000000000e+00, v2  }
0x20d: {  	v54 =	vmul.f32 $8.000000000e+00, v34;
	v0 =	vld [tilespmem:s15+$0x1A0];
	[tilespmem:v39+s23+$0x0] =	vst.idx.msk $0xffff, v57;
	v39 =	vadd.s32 v24, v38  }
0x20e: {  	v48 =	vld [tilespmem:s15+$0x160];
	v5 =	vmul.f32 $8.000000000e+00, v5;
	[tilespmem:v45+s23+$0x0] =	vst.idx.msk $0xffff, v2;
	v2 =	vadd.s32 v10, v33  }
0x20f: {  	v34 =	vld [tilespmem:s30+$0xD0];
	[tilespmem:v4+s23+$0x0] =	vst.idx.msk $0xffff, v54;
	v57 =	vmul.f32 $8.000000000e+00, v47;
	v45 =	vadd.s32 v27, v38  }
0x210: {  	v40 =	vadd.s32 v62, v38;
	[tilespmem:v61+s23+$0x0] =	vst.idx.msk $0xffff, v5;
	v5 =	vld [tilespmem:s30+$0x110];
	v61 =	vmul.f32 $8.000000000e+00, v44  }
0x211: {  	v63 =	vmul.f32 $8.000000000e+00, v52;
	v52 =	vld [tilespmem:s30+$0x1D0];
	[tilespmem:v53+s23+$0x0] =	vst.idx.msk $0xffff, v57  }
0x212: {  	v41 =	vadd.s32 v12, v38;
	v0 =	vmul.f32 $8.000000000e+00, v0;
	v4 =	vld [tilespmem:s15+$0xF0];
	[tilespmem:v39+s23+$0x0] =	vst.idx.msk $0xffff, v61  }
0x213: {  	v49 =	vadd.s32 v23, v38;
	v36 =	vadd.s32 v14, v33;
	v44 =	vld [tilespmem:s15+$0x1F0];
	[tilespmem:v2+s23+$0x0] =	vst.idx.msk $0xffff, v63;
	v2 =	vmul.f32 $8.000000000e+00, v37  }
0x214: {  	v51 =	vadd.s32 v32, v38;
	v57 =	vadd.s32 v18, v33;
	v53 =	vld [tilespmem:s15+$0x70];
	[tilespmem:v45+s23+$0x0] =	vst.idx.msk $0xffff, v0  }
0x215: {  	v3 =	vmul.f32 $8.000000000e+00, v3;
	v35 =	vld [tilespmem:s30+$0x190];
	v61 =	vadd.s32 v20, v38;
	[tilespmem:v40+s23+$0x0] =	vst.idx.msk $0xffff, v2;
	v2 =	vmul.f32 $8.000000000e+00, v5  }
0x216: {  	v47 =	vadd.s32 v8, v38;
	v42 =	vmul.f32 $8.000000000e+00, v52;
	v63 =	vmul.f32 $8.000000000e+00, v48;
	v50 =	vld [tilespmem:s15+$0x1B0]  }
0x217: {  	[tilespmem:v41+s23+$0x0] =	vst.idx.msk $0xffff, v3;
	v52 =	vadd.s32 v13, v38;
	v0 =	vmul.f32 $8.000000000e+00, v46;
	v37 =	vadd.s32 v26, v33;
	v46 =	vld [tilespmem:s15+$0x30]  }
0x218: {  	v48 =	vadd.s32 v59, v38;
	v39 =	vld [tilespmem:s30+$0xA0];
	v40 =	vmul.f32 $8.000000000e+00, v4;
	[tilespmem:v49+s23+$0x0] =	vst.idx.msk $0xffff, v63;
	v49 =	vadd.s32 v16, v38  }
0x219: {  	v54 =	vmul.f32 $8.000000000e+00, v44;
	v44 =	vadd.s32 v28, v38;
	v45 =	vld [tilespmem:s15+$0x170];
	[tilespmem:v57+s23+$0x0] =	vst.idx.msk $0xffff, v2;
	v53 =	vmul.f32 $8.000000000e+00, v53;
	v2 =	vmovc v13  }
0x21a: {  	s1 =	simm.s32 $0xC800;
	[tilespmem:v61+s23+$0x0] =	vst.idx.msk $0xffff, v0;
	v63 =	vmovc v24;
	v24 =	vmovc v28;
	v28 =	vmov v16;
	v41 =	vld [tilespmem:s30+$0x120];
	v13 =	vmov v56;
	v16 =	vmov v2  }
.LBB2_15:
0x21b: {  	s31 =	sadd.s32 $0x8, s31;
	v0 =	vld [tilespmem:s1+$0x40];
	v2 =	vmul.f32 $8.000000000e+00, v50;
	[tilespmem:v51+s23+$0x0] =	vst.idx.msk $0xffff, v54;
	v38 =	vmov v33  }
0x21c: {  	v3 =	vmov s31;
	v4 =	vld [tilespmem:s1+$0x140];
	p0 =	slt.u32 s31, $0x78;
	v5 =	vadd.s32 v60, v38;
	v33 =	vmul.f32 $8.000000000e+00, v46;
	[tilespmem:v47+s23+$0x0] =	vst.idx.msk $0xffff, v53  }
0x21d: {  	v39 =	vmul.f32 $8.000000000e+00, v39;
	v47 =	vadd.s32 v19, v38;
	v3 =	vshrl.u32 v3, $0x3;
	v46 =	vld [tilespmem:s1+$0x100];
	[tilespmem:v49+s23+$0x0] =	vst.idx.msk $0xffff, v2  }
0x21e: {  	v49 =	vadd.s32 v11, v38;
	v2 =	vshll.u32 v3, $0x3;
	v3 =	vld [tilespmem:s1+$0x80];
	[tilespmem:v48+s23+$0x0] =	vst.idx.msk $0xffff, v33;
	v45 =	vmul.f32 $8.000000000e+00, v45  }
0x21f: {  	v48 =	vld [tilespmem:s1+$0x0];
	v33 =	vbroadcast v2, $0x0;
	v2 =	vmul.f32 $8.000000000e+00, v43;
	v43 =	vadd.s32 v30, v38;
	[tilespmem:v52+s23+$0x0] =	vst.idx.msk $0xffff, v40  }
0x220: {  	v41 =	vmul.f32 $8.000000000e+00, v41;
	v40 =	vld [tilespmem:s1+$0x180];
	[tilespmem:v44+s23+$0x0] =	vst.idx.msk $0xffff, v45  }
0x221: {  	v44 =	vadd.s32 v6, v33;
	[tilespmem:v5+s23+$0x0] =	vst.idx.msk $0xffff, v2;
	v2 =	vld [tilespmem:s30+$0x150]  }
0x222: {  	v5 =	vadd.s32 v58, v33;
	v45 =	vld [tilespmem:s1+$0xC0];
	[tilespmem:v47+s23+$0x0] =	vst.idx.msk $0xffff, v41  }
0x223: {  	v34 =	vmul.f32 $8.000000000e+00, v34;
	v41 =	vadd.s32 v9, v33;
	v47 =	vld [tilespmem:s30+$0x60];
	[tilespmem:v49+s23+$0x0] =	vst.idx.msk $0xffff, v39;
	v39 =	vadd.s32 v22, v38  }
0x224: {  	v49 =	vadd.s32 v13, v33;
	v48 =	vmul.f32 $8.000000000e+00, v48;
	v50 =	vld [tilespmem:s30+$0x130];
	[tilespmem:v43+s23+$0x0] =	vst.idx.msk $0xffff, v42  }
0x225: {  	v0 =	vmul.f32 $8.000000000e+00, v0;
	v42 =	vadd.s32 v17, v33;
	v43 =	vld [tilespmem:s1+$0x1C0];
	[tilespmem:v36+s23+$0x0] =	vst.idx.msk $0xffff, v34  }
0x226: {  	v3 =	vmul.f32 $8.000000000e+00, v3;
	v34 =	vadd.s32 v21, v33;
	[tilespmem:v44+s23+$0x0] =	vst.idx.msk $0xffff, v48;
	v36 =	vld [tilespmem:s30+$0xE0];
	v2 =	vmul.f32 $8.000000000e+00, v2  }
0x227: {  	v35 =	vmul.f32 $8.000000000e+00, v35;
	v44 =	vld [tilespmem:s1+$0x10];
	[tilespmem:v5+s23+$0x0] =	vst.idx.msk $0xffff, v0;
	v0 =	vmul.f32 $8.000000000e+00, v45;
	v5 =	vadd.s32 v25, v33  }
0x228: {  	v45 =	vmul.f32 $8.000000000e+00, v46;
	[tilespmem:v39+s23+$0x0] =	vst.idx.msk $0xffff, v2;
	v2 =	vld [tilespmem:s30+$0x1E0]  }
0x229: {  	v4 =	vmul.f32 $8.000000000e+00, v4;
	v46 =	vadd.s32 v15, v38;
	v39 =	vadd.s32 v29, v33;
	v48 =	vld [tilespmem:s30+$0x160];
	[tilespmem:v37+s23+$0x0] =	vst.idx.msk $0xffff, v35  }
0x22a: {  	v51 =	vadd.s32 v7, v33;
	[tilespmem:v41+s23+$0x0] =	vst.idx.msk $0xffff, v3;
	v3 =	vmul.f32 $8.000000000e+00, v40;
	v40 =	vld [tilespmem:s30+$0x1A0];
	v41 =	vadd.s32 v31, v38  }
0x22b: {  	v52 =	vadd.s32 v10, v33;
	v55 =	vmul.f32 $8.000000000e+00, v50;
	[tilespmem:v49+s23+$0x0] =	vst.idx.msk $0xffff, v0;
	v0 =	vld [tilespmem:s30+$0xB0];
	v35 =	vmul.f32 $8.000000000e+00, v36  }
0x22c: {  	v36 =	vadd.s32 v14, v33;
	v49 =	vld [tilespmem:s1+$0x90];
	[tilespmem:v34+s23+$0x0] =	vst.idx.msk $0xffff, v4;
	v4 =	vmul.f32 $8.000000000e+00, v43  }
0x22d: {  	v43 =	vmul.f32 $8.000000000e+00, v44;
	[tilespmem:v42+s23+$0x0] =	vst.idx.msk $0xffff, v45;
	v42 =	vadd.s32 v18, v33;
	v44 =	vld [tilespmem:s30+$0x20];
	v2 =	vmul.f32 $8.000000000e+00, v2  }
0x22e: {  	v45 =	vadd.s32 v63, v38;
	v34 =	vld [tilespmem:s1+$0xD0];
	[tilespmem:v46+s23+$0x0] =	vst.idx.msk $0xffff, v35  }
0x22f: {  	v37 =	vadd.s32 v26, v33;
	[tilespmem:v5+s23+$0x0] =	vst.idx.msk $0xffff, v3;
	v3 =	vld [tilespmem:s30+$0xF0]  }
0x230: {  	v5 =	vadd.s32 v27, v38;
	v35 =	vld [tilespmem:s1+$0x190];
	[tilespmem:v41+s23+$0x0] =	vst.idx.msk $0xffff, v2  }
0x231: {  	v2 =	vld [tilespmem:s1+$0x110];
	[tilespmem:v39+s23+$0x0] =	vst.idx.msk $0xffff, v4;
	v4 =	vadd.s32 v62, v38;
	v39 =	vmul.f32 $8.000000000e+00, v47  }
0x232: {  	v41 =	vmul.f32 $8.000000000e+00, v49;
	v49 =	vadd.s32 v23, v38;
	[tilespmem:v51+s23+$0x0] =	vst.idx.msk $0xffff, v43;
	v43 =	vadd.s32 v12, v38;
	v54 =	vld [tilespmem:s30+$0x1F0]  }
0x233: {  	v40 =	vmul.f32 $8.000000000e+00, v40;
	v56 =	vld [tilespmem:s1+$0x1D0];
	[tilespmem:v45+s23+$0x0] =	vst.idx.msk $0xffff, v39;
	v45 =	vmul.f32 $8.000000000e+00, v48  }
0x234: {  	[tilespmem:v52+s23+$0x0] =	vst.idx.msk $0xffff, v41;
	v41 =	vmul.f32 $8.000000000e+00, v44;
	v44 =	vld [tilespmem:s30+$0x70]  }
0x235: {  	v57 =	vadd.s32 v20, v38;
	v0 =	vmul.f32 $8.000000000e+00, v0;
	v39 =	vld [tilespmem:s1+$0xA0];
	[tilespmem:v5+s23+$0x0] =	vst.idx.msk $0xffff, v40  }
.Ltmp9:
0x236: {  	v51 =	vadd.s32 v32, v38;
	v40 =	vmul.f32 $8.000000000e+00, v3;
	[tilespmem:v4+s23+$0x0] =	vst.idx.msk $0xffff, v41;
	v50 =	vld [tilespmem:s30+$0x1B0];
	(pc) =	sbr.rel @p0 .LBB2_15-.Ltmp9, $4  }
0x237: {  	v47 =	vadd.s32 v8, v38;
	v2 =	vmul.f32 $8.000000000e+00, v2;
	v46 =	vld [tilespmem:s30+$0x30];
	[tilespmem:v43+s23+$0x0] =	vst.idx.msk $0xffff, v0  }
0x238: {  	v43 =	vld [tilespmem:s1+$0x50];
	[tilespmem:v49+s23+$0x0] =	vst.idx.msk $0xffff, v45;
	v49 =	vadd.s32 v28, v38  }
0x239: {  	v48 =	vadd.s32 v59, v38;
	v54 =	vmul.f32 $8.000000000e+00, v54;
	[tilespmem:v42+s23+$0x0] =	vst.idx.msk $0xffff, v2;
	v53 =	vmul.f32 $8.000000000e+00, v44;
	v45 =	vld [tilespmem:s30+$0x170];
	s30 =	smov.u32 s1  }
0x23a: {  	v52 =	vadd.s32 v16, v38;
	v42 =	vmul.f32 $8.000000000e+00, v56;
	s1 =	sadd.s32 $0x200, s1;
	v44 =	vadd.s32 v24, v38;
	v41 =	vld [tilespmem:s30+$0x120];
	[tilespmem:v57+s23+$0x0] =	vst.idx.msk $0xffff, v55  }
0x23b: {  	_ =	sdelay $0x3  }
0x23c: {  	[tilespmem:v51+s23+$0x0] =	vst.idx.msk $0xffff, v54;
	v2 =	vadd.s32 v30, v33  }
0x23d: {  	v0 =	vmul.f32 $8.000000000e+00, v50;
	v3 =	vadd.s32 v60, v33;
	[tilespmem:v47+s23+$0x0] =	vst.idx.msk $0xffff, v53  }
0x23e: {  	[tilespmem:v52+s23+$0x0] =	vst.idx.msk $0xffff, v40;
	v4 =	vmul.f32 $8.000000000e+00, v46  }
0x23f: {  	[tilespmem:v49+s23+$0x0] =	vst.idx.msk $0xffff, v0;
	v0 =	vld [tilespmem:s30+$0x150]  }
0x240: {  	[tilespmem:v48+s23+$0x0] =	vst.idx.msk $0xffff, v4;
	v4 =	vmul.f32 $8.000000000e+00, v43  }
0x241: {  	v5 =	vadd.s32 v22, v33;
	[tilespmem:v2+s23+$0x0] =	vst.idx.msk $0xffff, v42;
	v2 =	vmul.f32 $8.000000000e+00, v35  }
0x242: {  	v53 =	vadd.s32 v11, v33;
	v34 =	vmul.f32 $8.000000000e+00, v34;
	[tilespmem:v3+s23+$0x0] =	vst.idx.msk $0xffff, v4;
	v3 =	vld [tilespmem:s30+$0x1E0]  }
0x243: {  	v38 =	vmul.f32 $8.000000000e+00, v45;
	v4 =	vadd.s32 v19, v33;
	v54 =	vld [tilespmem:s30+$0x60];
	[tilespmem:v37+s23+$0x0] =	vst.idx.msk $0xffff, v2  }
0x244: {  	v55 =	vadd.s32 v31, v33;
	[tilespmem:v36+s23+$0x0] =	vst.idx.msk $0xffff, v34;
	v0 =	vmul.f32 $8.000000000e+00, v0;
	v2 =	vld [tilespmem:s30+$0x1A0]  }
0x245: {  	v56 =	vmul.f32 $8.000000000e+00, v39;
	v57 =	vld [tilespmem:s30+$0x20];
	v61 =	vadd.s32 v63, v33;
	[tilespmem:v44+s23+$0x0] =	vst.idx.msk $0xffff, v38  }
0x246: {  	v46 =	vld [tilespmem:s30+$0xE0];
	v45 =	vmul.f32 $8.000000000e+00, v41;
	[tilespmem:v5+s23+$0x0] =	vst.idx.msk $0xffff, v0;
	v0 =	vadd.s32 v27, v33  }
0x247: {  	v47 =	vadd.s32 v62, v33;
	[tilespmem:v53+s23+$0x0] =	vst.idx.msk $0xffff, v56;
	v5 =	vld [tilespmem:s30+$0x160];
	v3 =	vmul.f32 $8.000000000e+00, v3  }
0x248: {  	v38 =	vld [tilespmem:s30+$0xB0];
	[tilespmem:v4+s23+$0x0] =	vst.idx.msk $0xffff, v45;
	v4 =	vadd.s32 v15, v33;
	v48 =	vmul.f32 $8.000000000e+00, v54  }
0x249: {  	v49 =	vld [tilespmem:s30+$0x130];
	[tilespmem:v55+s23+$0x0] =	vst.idx.msk $0xffff, v3;
	v3 =	vadd.s32 v23, v33;
	v2 =	vmul.f32 $8.000000000e+00, v2  }
0x24a: {  	v50 =	vadd.s32 v12, v33;
	v34 =	vmul.f32 $8.000000000e+00, v57;
	[tilespmem:v61+s23+$0x0] =	vst.idx.msk $0xffff, v48;
	v42 =	vld [tilespmem:s30+$0x1F0]  }
0x24b: {  	v52 =	vadd.s32 v20, v33;
	v51 =	vmul.f32 $8.000000000e+00, v46;
	v39 =	vld [tilespmem:s30+$0x70];
	[tilespmem:v0+s23+$0x0] =	vst.idx.msk $0xffff, v2  }
0x24c: {  	[tilespmem:v47+s23+$0x0] =	vst.idx.msk $0xffff, v34;
	v0 =	vmul.f32 $8.000000000e+00, v5;
	v5 =	vadd.s32 v32, v33;
	v2 =	vld [tilespmem:s30+$0x1B0]  }
0x24d: {  	v53 =	vadd.s32 v8, v33;
	v34 =	vld [tilespmem:s30+$0x30];
	[tilespmem:v4+s23+$0x0] =	vst.idx.msk $0xffff, v51;
	v4 =	vmul.f32 $8.000000000e+00, v38  }
0x24e: {  	v54 =	vmul.f32 $8.000000000e+00, v49;
	v55 =	vld [tilespmem:s30+$0xF0];
	[tilespmem:v3+s23+$0x0] =	vst.idx.msk $0xffff, v0;
	v0 =	vadd.s32 v28, v33  }
0x24f: {  	[tilespmem:v50+s23+$0x0] =	vst.idx.msk $0xffff, v4;
	v3 =	vadd.s32 v59, v33;
	v4 =	vld [tilespmem:s30+$0x170];
	v56 =	vmul.f32 $8.000000000e+00, v42  }
0x250: {  	v57 =	vadd.s32 v16, v33;
	[tilespmem:v52+s23+$0x0] =	vst.idx.msk $0xffff, v54;
	v39 =	vmul.f32 $8.000000000e+00, v39  }
0x251: {  	v59 =	vadd.s32 v24, v33;
	v2 =	vmul.f32 $8.000000000e+00, v2;
	[tilespmem:v5+s23+$0x0] =	vst.idx.msk $0xffff, v56  }
0x252: {  	v5 =	vmul.f32 $8.000000000e+00, v34;
	[tilespmem:v53+s23+$0x0] =	vst.idx.msk $0xffff, v39  }
0x253: {  	v61 =	vmul.f32 $8.000000000e+00, v55;
	[tilespmem:v0+s23+$0x0] =	vst.idx.msk $0xffff, v2  }
0x254: {  	[tilespmem:v3+s23+$0x0] =	vst.idx.msk $0xffff, v5;
	v0 =	vmul.f32 $8.000000000e+00, v4  }
0x255: {  	[tilespmem:v57+s23+$0x0] =	vst.idx.msk $0xffff, v61  }
0x256: {  	s15 =	sadd.s32 s29, s7;
	s0 =	simm.s32 $0x12C00;
	[tilespmem:v59+s23+$0x0] =	vst.idx.msk $0xffff, v0  }
0x257: {  	[hbm4b:s15+s3] =	stream.linear.scatter [tilespmem:s0], [sflag:$0x4], $0x80, $0x38;
	[tilespmem:$0x17400] =	vst v63  }
0x258: {  	s31 =	simm.s32 $0x12C90;
	s1 =	sadd.s32 $0x10, s15  }
0x259: {  	[hbm4b:s1+s3] =	stream.linear.scatter [tilespmem:s31], [sflag:$0x4], $0x80, $0x38;
	[tilespmem:$0x17400] =	vst v63  }
0x25a: {  	s13 =	simm.s32 $0x12D20;
	s31 =	sadd.s32 $0x20, s15  }
0x25b: {  	[hbm4b:s31+s3] =	stream.linear.scatter [tilespmem:s13], [sflag:$0x4], $0x80, $0x38;
	[tilespmem:$0x17400] =	vst v63  }
0x25c: {  	s13 =	simm.s32 $0x12DB0;
	s31 =	sadd.s32 $0x30, s15  }
0x25d: {  	[hbm4b:s31+s3] =	stream.linear.scatter [tilespmem:s13], [sflag:$0x4], $0x80, $0x38;
	[tilespmem:$0x17400] =	vst v63  }
0x25e: {  	s13 =	simm.s32 $0x12E40;
	s31 =	sadd.s32 $0x40, s15  }
0x25f: {  	[hbm4b:s31+s3] =	stream.linear.scatter [tilespmem:s13], [sflag:$0x4], $0x80, $0x38;
	[tilespmem:$0x17400] =	vst v63  }
0x260: {  	s29 =	sadd.s32 $0x1000, s15;
	s13 =	simm.s32 $0x12ED0;
	s31 =	sadd.s32 $0x50, s15  }
0x261: {  	[hbm4b:s31+s3] =	stream.linear.scatter [tilespmem:s13], [sflag:$0x4], $0x80, $0x38;
	[tilespmem:$0x17400] =	vst v63  }
0x262: {  	s30 =	simm.s32 $0x2400;
	s13 =	simm.s32 $0x12F60;
	s31 =	sadd.s32 $0x60, s15  }
0x263: {  	[hbm4b:s31+s3] =	stream.linear.scatter [tilespmem:s13], [sflag:$0x4], $0x80, $0x38;
	[tilespmem:$0x17400] =	vst v63  }
0x264: {  	s0 =	simm.s32 $0x12FF0;
	s1 =	simm.s32 $0x480;
	s13 =	sadd.s32 $0x70, s15  }
.LBB2_17:
0x265: {  	[hbm4b:s13+s3] =	stream.linear.scatter [tilespmem:s0], [sflag:$0x4], $0x80, $0x38;
	[tilespmem:$0x17400] =	vst v63  }
0x266: {  	s0 =	smov.u32 s1;
	s1 =	smov.u32 s30  }
0x267: {  	s15 =	sadd.s32 $0x1200, s30;
	s1 =	sshra.s32 s1, $0x2;
	s13 =	sadd.s32 $0x12C00, s0  }
0x268: {  	[hbm4b:s29+s3] =	stream.linear.scatter [tilespmem:s13], [sflag:$0x4], $0x80, $0x38;
	[tilespmem:$0x17400] =	vst v63  }
0x269: {  	p0 =	sne.s32 s30, $0x10E00;
	s30 =	sadd.s32 $0x10, s29;
	s13 =	sadd.s32 $0x12C90, s0  }
0x26a: {  	[hbm4b:s30+s3] =	stream.linear.scatter [tilespmem:s13], [sflag:$0x4], $0x80, $0x38;
	[tilespmem:$0x17400] =	vst v63  }
0x26b: {  	s13 =	sadd.s32 $0x12D20, s0;
	s30 =	sadd.s32 $0x20, s29  }
0x26c: {  	[hbm4b:s30+s3] =	stream.linear.scatter [tilespmem:s13], [sflag:$0x4], $0x80, $0x38;
	[tilespmem:$0x17400] =	vst v63  }
0x26d: {  	s13 =	sadd.s32 $0x12DB0, s0;
	s30 =	sadd.s32 $0x30, s29  }
0x26e: {  	[hbm4b:s30+s3] =	stream.linear.scatter [tilespmem:s13], [sflag:$0x4], $0x80, $0x38;
	[tilespmem:$0x17400] =	vst v63  }
0x26f: {  	s13 =	sadd.s32 $0x12E40, s0;
	s30 =	sadd.s32 $0x40, s29  }
0x270: {  	[hbm4b:s30+s3] =	stream.linear.scatter [tilespmem:s13], [sflag:$0x4], $0x80, $0x38;
	[tilespmem:$0x17400] =	vst v63  }
.Ltmp10:
0x271: {  	s13 =	sadd.s32 $0x12ED0, s0;
	s30 =	sadd.s32 $0x50, s29;
	(pc) =	sbr.rel @p0 .LBB2_17-.Ltmp10, $4  }
0x272: {  	[hbm4b:s30+s3] =	stream.linear.scatter [tilespmem:s13], [sflag:$0x4], $0x80, $0x38;
	[tilespmem:$0x17400] =	vst v63  }
0x273: {  	s13 =	sadd.s32 $0x12F60, s0;
	s30 =	sadd.s32 $0x60, s29;
	s0 =	sadd.s32 $0x12FF0, s0  }
0x274: {  	[hbm4b:s30+s3] =	stream.linear.scatter [tilespmem:s13], [sflag:$0x4], $0x80, $0x38;
	[tilespmem:$0x17400] =	vst v63  }
0x275: {  	s13 =	sadd.s32 $0x70, s29;
	s29 =	sadd.s32 $0x1000, s29;
	s30 =	smov.u32 s15  }
0x276: {  	[hbm4b:s13+s3] =	stream.linear.scatter [tilespmem:s0], [sflag:$0x4], $0x80, $0x38;
	[tilespmem:$0x17400] =	vst v63  }
0x277: {  	s15 =	sadd.s32 $0x12C00, s1  }
0x278: {  	[hbm4b:s29+s3] =	stream.linear.scatter [tilespmem:s15], [sflag:$0x4], $0x80, $0x38;
	[tilespmem:$0x17400] =	vst v63  }
0x279: {  	s30 =	sadd.s32 $0x12C90, s1;
	s31 =	sadd.s32 $0x10, s29  }
0x27a: {  	[hbm4b:s31+s3] =	stream.linear.scatter [tilespmem:s30], [sflag:$0x4], $0x80, $0x38;
	[tilespmem:$0x17400] =	vst v63  }
0x27b: {  	s13 =	sadd.s32 $0x12D20, s1;
	s15 =	sadd.s32 $0x20, s29  }
0x27c: {  	[hbm4b:s15+s3] =	stream.linear.scatter [tilespmem:s13], [sflag:$0x4], $0x80, $0x38;
	[tilespmem:$0x17400] =	vst v63  }
0x27d: {  	s30 =	sadd.s32 $0x12DB0, s1;
	s31 =	sadd.s32 $0x30, s29  }
0x27e: {  	[hbm4b:s31+s3] =	stream.linear.scatter [tilespmem:s30], [sflag:$0x4], $0x80, $0x38;
	[tilespmem:$0x17400] =	vst v63  }
0x27f: {  	s13 =	sadd.s32 $0x12E40, s1;
	s15 =	sadd.s32 $0x40, s29  }
0x280: {  	[hbm4b:s15+s3] =	stream.linear.scatter [tilespmem:s13], [sflag:$0x4], $0x80, $0x38;
	[tilespmem:$0x17400] =	vst v63  }
0x281: {  	p0 =	seq.s32 s26, $0x31;
	s30 =	sadd.s32 $0x12ED0, s1;
	s31 =	sadd.s32 $0x50, s29  }
0x282: {  	[hbm4b:s31+s3] =	stream.linear.scatter [tilespmem:s30], [sflag:$0x4], $0x80, $0x38;
	[tilespmem:$0x17400] =	vst v63  }
.Ltmp11:
0x283: {  	_ = 	snop;
	(pc) =	sbr.rel @p0 .LBB2_20-.Ltmp11, $4  }
0x284: {  	s13 =	sadd.s32 $0x12F60, s1;
	s15 =	sadd.s32 $0x60, s29  }
0x285: {  	[hbm4b:s15+s3] =	stream.linear.scatter [tilespmem:s13], [sflag:$0x4], $0x80, $0x38;
	[tilespmem:$0x17400] =	vst v63  }
0x286: {  	s30 =	sadd.s32 $0x12FF0, s1;
	s31 =	sadd.s32 $0x70, s29  }
0x287: {  	[hbm4b:s31+s3] =	stream.linear.scatter [tilespmem:s30], [sflag:$0x4], $0x80, $0x38;
	[tilespmem:$0x17400] =	vst v63  }
.Ltmp12:
0x288: {  	s0 =	sshrl.u32 s28, $0x2;
	(pc) =	sbr.rel .LBB2_2-.Ltmp12, $4  }
0x289: {  	s1 =	sadd.s32 $0x300, s0  }
0x28a: {  	[tilespmem:s14], [sflag:$0x2] =	stream.indirect.gather [hbm4b:s4+s10], $0x40, s1, s10, $0xb8;
	[tilespmem:$0x17400] =	vst v63  }
0x28b: {  	s26 =	sadd.s32 $0x1, s26;
	s0 =	sadd.s32 $0x380, s0  }
0x28c: {  	v3 =	vmov v20;
	v20 =	vmov v24;
	[tilespmem:s16], [sflag:$0x2] =	stream.indirect.gather [hbm4b:s4+s10], $0x40, s0, s10, $0xb8;
	[tilespmem:$0x17400] =	vst v63  }
.LBB2_21:
0x28d: {  	_ =	sfence.sel $0x180000  }
0x28e: {  	[bflag:$0x0] =	sbarrier.arrive $0xFFFF  }
0x28f: {  	_ =	strace $0x90000047  }
0x290: {  	s0 =	stileid.u32;
	[bflag:$0x2] =	sbarrier.arrive $0xFFFF  }
0x291: {  	p0 =	sne.s32 s0, $0x0;
	s0 =	rddreg [dreg:$0x2]  }
0x292: {  	s0 =	sadd.s32 @!p0 $0x100000, s0  }
0x293: {  	[sflag:s0] =	ssyncadd.tile.s32 @!p0 $0x1;
	_ =	shalt  }
.Lfunc_end2:
_tile_overlayer_lowered:
.L_overlay_start_2:
0x294: {  	(tag) =	ssettag $0x2  }
0x295: {  	s0 =	rddreg [dreg:$0x0];
	s2 =	stileid.u32  }
0x296: {  	s1 =	rddreg [dreg:$0x1];
	p0 =	sne.s32 s2, $0x0  }
0x297: {  	s3 =	rddreg [dreg:$0x2];
	[bflag:$0x3] =	sbarrier.arrive $0xFFFF;
	s2 =	simm.s32 @!p0 $0x1C05  }
0x298: {  	[timem:s3], [sflag:s2] =	dma.local @!p0 [hbm:s0], s1  }
0x299: {  	s0 =	simm.s32 @!p0 $0x5  }
0x29a: {  	_ =	swait.ge @!p0 [sflag:s0], s1  }
0x29b: {  	s1 =	ssub.s32 @!p0 $0x0, s1;
	[sflag:s0] =	ssyncset.done @!p0 $0x0  }
0x29c: {  	[sflag:s0] =	ssyncadd.s32 @!p0 s1  }
0x29d: {  	[bflag:$0x3] =	sbarrier.arrive $0xFFFF  }
0x29e: {  	_ =	shalt  }

</sc_bundles>
